<compile_context>
chip_gen: v7x
topology: tpu7x:2x2x1
jax: 0.10.2.dev20260603
libtpu: 0.0.44.dev20260713+nightly
codegen_flags: <defaults>
</compile_context>

<pallas_src>
import functools

import jax
import jax.numpy as jnp
from jax import lax
from jax.experimental import pallas as pl
from jax.experimental.pallas import tpu as pltpu
from jax.experimental.pallas import tpu_sc as plsc

B, S, H, I, E, K, VOCAB = 1, 2048, 768, 1024, 8, 2, 100000
T = B * S
TB = T // 2
BV = 1024
NVB = (VOCAB + BV - 1) // BV

_bf16 = jnp.bfloat16
_f32 = jnp.float32


def _sc_gather(emb, ids):
    info = plsc.get_sparse_core_info()
    nc, ns = info.num_cores, info.num_subcores
    nw = nc * ns
    b_per_w = T // nw
    mesh = plsc.VectorSubcoreMesh(core_axis_name="c", subcore_axis_name="s")

    @functools.partial(
        pl.kernel,
        mesh=mesh,
        out_type=jax.ShapeDtypeStruct((T, H), _f32),
        scratch_types=[
            pltpu.VMEM((b_per_w,), jnp.int32),
            pltpu.VMEM((b_per_w, H), _f32),
            pltpu.SemaphoreType.DMA,
        ],
    )
    def k(emb_hbm, idx_hbm, out_hbm, idx_v, rows_v, sem):
        wid = lax.axis_index("s") * nc + lax.axis_index("c")
        base = wid * b_per_w
        pltpu.sync_copy(idx_hbm.at[pl.ds(base, b_per_w)], idx_v)
        pltpu.async_copy(emb_hbm.at[idx_v], rows_v, sem).wait()
        pltpu.sync_copy(rows_v, out_hbm.at[pl.ds(base, b_per_w)])

    return k(emb, ids)


def _router_body(hs_ref, rw_ref, rb_ref, coef_ref, aux_ref):
    x = hs_ref[...].astype(_bf16)
    w = rw_ref[...].astype(_bf16)
    rl = lax.dot_general(x, w, (((1,), (1,)), ((), ())),
                         preferred_element_type=_f32) + rb_ref[...]
    idx = lax.broadcasted_iota(jnp.int32, (T, E), 1)
    v1 = jnp.max(rl, axis=1, keepdims=True)
    i1 = jnp.min(jnp.where(rl == v1, idx, E), axis=1, keepdims=True)
    m1 = idx == i1
    rl2 = jnp.where(m1, -jnp.inf, rl)
    v2 = jnp.max(rl2, axis=1, keepdims=True)
    i2 = jnp.min(jnp.where(rl2 == v2, idx, E), axis=1, keepdims=True)
    m2 = idx == i2
    e = jnp.exp(v2 - v1)
    denom = 1.0 + e
    w1 = 1.0 / denom
    w2 = e / denom
    m1f = m1.astype(_f32)
    m2f = m2.astype(_f32)
    wm = m1f * w1 + m2f * w2
    cnt = jnp.sum(m1f + m2f, axis=0, keepdims=True)
    wsum = jnp.sum(wm, axis=0, keepdims=True)
    wsc = jnp.where(cnt > 0, wsum / jnp.maximum(cnt, 1.0), 0.0)
    coef_ref[...] = wsc * (m1f + m2f)
    aux = jnp.mean((cnt - T / E) ** 2) * 0.01
    aux_ref[...] = aux.reshape(1, 1)


def _router(hs, router_w, router_b):
    return pl.pallas_call(
        _router_body,
        out_shape=(
            jax.ShapeDtypeStruct((T, E), _f32),
            jax.ShapeDtypeStruct((1, 1), _f32),
        ),
    )(hs, router_w, router_b.reshape(1, E))


def _expert_body(hs_ref, coef_ref, w1_ref, b1_ref, w2_ref, b2_ref,
                 g_ref, b_ref, out_ref, acc_ref):
    i = pl.program_id(1)

    @pl.when(i == 0)
    def _():
        acc_ref[...] = jnp.zeros_like(acc_ref)

    x = hs_ref[...].astype(_bf16)
    h1 = lax.dot_general(x, w1_ref[0].astype(_bf16), (((1,), (1,)), ((), ())),
                         preferred_element_type=_f32) + b1_ref[0]
    h1 = h1 * (lax.erf(h1 / jnp.sqrt(_f32(2.0))) + 1.0) / 2.0
    h2 = lax.dot_general(h1.astype(_bf16), w2_ref[0].astype(_bf16),
                         (((1,), (1,)), ((), ())),
                         preferred_element_type=_f32) + b2_ref[0]
    eidx = lax.broadcasted_iota(jnp.int32, (TB, E), 1)
    ci = jnp.sum(coef_ref[...] * (eidx == i).astype(_f32), axis=1,
                 keepdims=True)
    acc_ref[...] += h2 * ci

    @pl.when(i == E - 1)
    def _():
        o = acc_ref[...]
        mu = jnp.mean(o, axis=1, keepdims=True)
        var = jnp.mean((o - mu) ** 2, axis=1, keepdims=True)
        ln = (o - mu) / jnp.sqrt(var + 1e-5) * g_ref[...] + b_ref[...]
        out_ref[...] = ln.astype(_bf16)


def _experts(hs, coef, fc1_w, fc1_b, fc2_w, fc2_b, ln_g, ln_b):
    return pl.pallas_call(
        _expert_body,
        grid=(T // TB, E),
        in_specs=[
            pl.BlockSpec((TB, H), lambda t, i: (t, 0)),
            pl.BlockSpec((TB, E), lambda t, i: (t, 0)),
            pl.BlockSpec((1, I, H), lambda t, i: (i, 0, 0)),
            pl.BlockSpec((1, 1, I), lambda t, i: (i, 0, 0)),
            pl.BlockSpec((1, H, I), lambda t, i: (i, 0, 0)),
            pl.BlockSpec((1, 1, H), lambda t, i: (i, 0, 0)),
            pl.BlockSpec((1, H), lambda t, i: (0, 0)),
            pl.BlockSpec((1, H), lambda t, i: (0, 0)),
        ],
        out_specs=pl.BlockSpec((TB, H), lambda t, i: (t, 0)),
        out_shape=jax.ShapeDtypeStruct((T, H), _bf16),
        scratch_shapes=[pltpu.VMEM((TB, H), _f32)],
        compiler_params=pltpu.CompilerParams(
            dimension_semantics=("parallel", "arbitrary")),
    )(hs, coef, fc1_w, fc1_b.reshape(E, 1, I), fc2_w, fc2_b.reshape(E, 1, H),
      ln_g.reshape(1, H), ln_b.reshape(1, H))


VTAIL = VOCAB - (NVB - 1) * BV


def _head_body(ln_ref, w_ref, b_ref, out_ref, tail_ref, obuf, sem):
    v = pl.program_id(0)
    slot = lax.rem(v, 2)

    @pl.when(v >= 2)
    def _():
        pltpu.make_async_copy(
            obuf.at[slot],
            out_ref.at[0, :, pl.ds((v - 2) * BV, BV)],
            sem.at[slot]).wait()

    res = lax.dot_general(
        ln_ref[...], w_ref[...].astype(_bf16), (((1,), (1,)), ((), ())),
        preferred_element_type=_f32) + b_ref[...]

    @pl.when(v < NVB - 1)
    def _():
        obuf[slot] = res
        pltpu.make_async_copy(
            obuf.at[slot],
            out_ref.at[0, :, pl.ds(v * BV, BV)],
            sem.at[slot]).start()

    @pl.when(v == NVB - 1)
    def _():
        tail_ref[...] = res[:, :VTAIL]
        pltpu.make_async_copy(
            obuf.at[1 - slot],
            out_ref.at[0, :, pl.ds((v - 1) * BV, BV)],
            sem.at[1 - slot]).wait()


def _head(ln, head_w, head_b):
    return pl.pallas_call(
        _head_body,
        grid=(NVB,),
        in_specs=[
            pl.BlockSpec((T, H), lambda v: (0, 0)),
            pl.BlockSpec((BV, H), lambda v: (v, 0)),
            pl.BlockSpec((1, BV), lambda v: (0, v)),
        ],
        out_specs=[
            pl.BlockSpec(memory_space=pl.ANY),
            pl.BlockSpec((T, VTAIL), lambda v: (0, 0)),
        ],
        out_shape=[
            jax.ShapeDtypeStruct((B, T, VOCAB), _f32),
            jax.ShapeDtypeStruct((T, VTAIL), _f32),
        ],
        scratch_shapes=[
            pltpu.VMEM((2, T, BV), _f32),
            pltpu.SemaphoreType.DMA((2,)),
        ],
        compiler_params=pltpu.CompilerParams(
            dimension_semantics=("arbitrary",)),
    )(ln, head_w, head_b.reshape(1, VOCAB))


def kernel(input_ids, emb, router_w, router_b, fc1_w, fc1_b, fc2_w, fc2_b,
           ln_g, ln_b, head_w, head_b):
    ids = input_ids.reshape(-1).astype(jnp.int32)
    hs = _sc_gather(emb, ids)
    coef, aux = _router(hs, router_w, router_b)
    ln = _experts(hs, coef, fc1_w, fc1_b, fc2_w, fc2_b, ln_g, ln_b)
    main, tail = _head(ln, head_w, head_b)
    logits = lax.dynamic_update_slice(main, tail[None], (0, 0, (NVB - 1) * BV))
    return logits, aux.reshape(())

# --- scband reference (transcript-rebuilt; emitter-appended) ---
"""Pipeline reference for scband-mock-distributed-mo-emodel-65798898974772 (READ-ONLY COPY).

The authoritative reference and input builder live on the scoring server;
editing this copy changes nothing except your own understanding.
"""

import jax, jax.numpy as jnp
import numpy as np

B, S, H, I, E, K, V = 1, 2048, 768, 1024, 8, 2, 100000


def _linear_params(key, out_d, in_d):
    bound = 1.0 / np.sqrt(in_d)
    kw, kb = jax.random.split(key)
    w = jax.random.uniform(kw, (out_d, in_d), jnp.float32, -bound, bound)
    b = jax.random.uniform(kb, (out_d,), jnp.float32, -bound, bound)
    return w, b


def setup_inputs(seed: int = 0) -> dict:
    key = jax.random.key(seed)
    ks = jax.random.split(key, 8)
    input_ids = jax.random.randint(ks[0], (B, S), 0, V, dtype=jnp.int64 if jax.config.jax_enable_x64 else jnp.int32)
    emb = jax.random.normal(ks[1], (V, H), jnp.float32)
    router_w, router_b = _linear_params(ks[2], E, H)
    fc1 = [_linear_params(jax.random.fold_in(ks[3], i), I, H) for i in range(E)]
    fc1_w = jnp.stack([w for w, _ in fc1])
    fc1_b = jnp.stack([b for _, b in fc1])
    fc2 = [_linear_params(jax.random.fold_in(ks[4], i), H, I) for i in range(E)]
    fc2_w = jnp.stack([w for w, _ in fc2])
    fc2_b = jnp.stack([b for _, b in fc2])
    ln_g = jnp.ones((H,), jnp.float32)
    ln_b = jnp.zeros((H,), jnp.float32)
    head_w, head_b = _linear_params(ks[5], V, H)
    return {"input_ids": input_ids, "emb": emb, "router_w": router_w, "router_b": router_b,
            "fc1_w": fc1_w, "fc1_b": fc1_b, "fc2_w": fc2_w, "fc2_b": fc2_b,
            "ln_g": ln_g, "ln_b": ln_b, "head_w": head_w, "head_b": head_b}


def reference(input_ids, emb, router_w, router_b, fc1_w, fc1_b, fc2_w, fc2_b, ln_g, ln_b, head_w, head_b):
    # embedding lookup
    h = jnp.take(emb, input_ids, axis=0)  # [B, S, H]
    hs = h.reshape(-1, H)                  # [T, H]
    # router + top-k (experts_per_token)
    rl = hs @ router_w.T + router_b        # [T, E]
    rw, sel = jax.lax.top_k(rl, K)         # [T, K]
    rw = jax.nn.softmax(rw, axis=-1)
    # expert-parallel forward (dense masked equivalent of the torch boolean-indexed loop;
    # note the original code applies the MEAN routing weight over all tokens routed to expert i,
    # broadcast as a scalar -- replicated faithfully here)
    out = jnp.zeros_like(hs)
    for i in range(E):
        m = (sel == i)                     # [T, K]
        tok = m.any(axis=-1)               # [T]
        cnt = m.sum()
        wsc = jnp.where(cnt > 0, (rw * m).sum() / jnp.maximum(cnt, 1).astype(rw.dtype), jnp.float32(0.0))
        eo = jax.nn.gelu(hs @ fc1_w[i].T + fc1_b[i], approximate=False) @ fc2_w[i].T + fc2_b[i]
        out = out + eo * wsc * tok[:, None].astype(eo.dtype)
    # aux load-balancing loss
    counts = jnp.sum(sel[..., None] == jnp.arange(E), axis=(0, 1)).astype(jnp.float32)
    target = sel.shape[0] / E
    aux = ((counts - target) ** 2).mean() * 0.01
    # LayerNorm (dropout is identity in eval mode)
    mu = out.mean(axis=-1, keepdims=True)
    var = out.var(axis=-1, keepdims=True)
    ln = (out - mu) / jnp.sqrt(var + 1e-5) * ln_g + ln_b
    logits = (ln @ head_w.T + head_b).reshape(B, S, V)
    return logits, aux

if __name__ == "__main__":
    import jax
    _d = setup_inputs()
    print(jax.jit(kernel)(*tuple(_d.values())))

</pallas_src>

<mosaic_0001>
#map = affine_map<(d0, d1) -> (0, 0)>
#map1 = affine_map<(d0, d1) -> (0)>
module attributes {stable_mosaic.version = 14 : i64} {
  func.func @k(%arg0: i32, %arg1: i32, %arg2: memref<100000x768xf32, #tpu.memory_space<hbm>>, %arg3: memref<2048xi32, #tpu.memory_space<hbm>>, %arg4: memref<2048x768xf32, #tpu.memory_space<hbm>>, %arg5: memref<64xi32, #tpu.memory_space<vmem>>, %arg6: memref<64x768xf32, #tpu.memory_space<vmem>>, %arg7: memref<!tpu.dma_semaphore, #tpu.memory_space<semaphore_mem>>) attributes {dimension_semantics = [#tpu.dimension_semantics<core_parallel>, #tpu.dimension_semantics<subcore_parallel>], iteration_bounds = array<i64: 2, 16>, scalar_prefetch = 0 : i64, scratch_operands = 3 : i64, tpu.core_type = #tpu.core_type<sc_vector_subcore>, window_params = [{transform_indices = #map}, {transform_indices = #map1}, {transform_indices = #map}]} {
    %mul3A = arith.constant 2 : i32
    %mul3A_0 = arith.muli %arg1, %mul3A : i32
    %add3A = arith.addi %mul3A_0, %arg0 : i32
    %mul3A_1 = arith.constant 64 : i32
    %mul3A_2 = arith.muli %add3A, %mul3A_1 : i32
    "tpu.region"() ({
      %run_scoped3A = tpu.sem_alloc : memref<!tpu.dma_semaphore, #tpu.memory_space<semaphore_mem>>
      %dma_start3A_7 = tpu.memref_slice %arg3[%mul3A_2] : memref<2048xi32, #tpu.memory_space<hbm>> -> memref<64xi32, #tpu.memory_space<hbm>>
      %dma_start3A_8 = tpu.memref_slice %arg3[%mul3A_2] : memref<2048xi32, #tpu.memory_space<hbm>> -> memref<64xi32, #tpu.memory_space<hbm>>
      tpu.enqueue_dma source(%dma_start3A_8 : memref<64xi32, #tpu.memory_space<hbm>>) target(%arg5 : memref<64xi32, #tpu.memory_space<vmem>>) target_semaphore(%run_scoped3A : memref<!tpu.dma_semaphore, #tpu.memory_space<semaphore_mem>>)
      %dma_wait3A_9 = tpu.memref_slice %arg3[%mul3A_2] : memref<2048xi32, #tpu.memory_space<hbm>> -> memref<64xi32, #tpu.memory_space<hbm>>
      %dma_wait3A_10 = tpu.memref_slice %arg3[%mul3A_2] : memref<2048xi32, #tpu.memory_space<hbm>> -> memref<64xi32, #tpu.memory_space<hbm>>
      tpu.wait_dma2 semaphore(%run_scoped3A : memref<!tpu.dma_semaphore, #tpu.memory_space<semaphore_mem>>) src(%dma_wait3A_10 : memref<64xi32, #tpu.memory_space<hbm>>) dst(%arg5 : memref<64xi32, #tpu.memory_space<vmem>>)
      tpu.yield
    }) : () -> ()
    %dma_start3A = arith.constant 0 : i32
    %dma_start3A_3 = arith.constant 0 : i32
    %dma_start3A_4 = tpu.memref_slice %arg2[%dma_start3A, %dma_start3A_3] : memref<100000x768xf32, #tpu.memory_space<hbm>> -> memref<100000x768xf32, #tpu.memory_space<hbm>>
    tpu.enqueue_indirect_dma source(%dma_start3A_4 : memref<100000x768xf32, #tpu.memory_space<hbm>>) target(%arg6 : memref<64x768xf32, #tpu.memory_space<vmem>>) offsets(%arg5 : memref<64xi32, #tpu.memory_space<vmem>>) semaphore(%arg7 : memref<!tpu.dma_semaphore, #tpu.memory_space<semaphore_mem>>)
    %dma_wait3A = arith.constant 0 : i32
    %dma_wait3A_5 = arith.constant 0 : i32
    %dma_wait3A_6 = tpu.memref_slice %arg2[%dma_wait3A, %dma_wait3A_5] : memref<100000x768xf32, #tpu.memory_space<hbm>> -> memref<100000x768xf32, #tpu.memory_space<hbm>>
    tpu.wait_indirect_dma semaphore(%arg7 : memref<!tpu.dma_semaphore, #tpu.memory_space<semaphore_mem>>) src(%dma_wait3A_6 : memref<100000x768xf32, #tpu.memory_space<hbm>>) dst(%arg6 : memref<64x768xf32, #tpu.memory_space<vmem>>)
    "tpu.region"() ({
      %run_scoped3A = tpu.sem_alloc : memref<!tpu.dma_semaphore, #tpu.memory_space<semaphore_mem>>
      %dma_start3A_7 = arith.constant 0 : i32
      %dma_start3A_8 = tpu.memref_slice %arg4[%mul3A_2, %dma_start3A_7] : memref<2048x768xf32, #tpu.memory_space<hbm>> -> memref<64x768xf32, #tpu.memory_space<hbm>>
      %dma_start3A_9 = arith.constant 0 : i32
      %dma_start3A_10 = tpu.memref_slice %arg4[%mul3A_2, %dma_start3A_9] : memref<2048x768xf32, #tpu.memory_space<hbm>> -> memref<64x768xf32, #tpu.memory_space<hbm>>
      tpu.enqueue_dma source(%arg6 : memref<64x768xf32, #tpu.memory_space<vmem>>) target(%dma_start3A_10 : memref<64x768xf32, #tpu.memory_space<hbm>>) target_semaphore(%run_scoped3A : memref<!tpu.dma_semaphore, #tpu.memory_space<semaphore_mem>>)
      %dma_wait3A_11 = arith.constant 0 : i32
      %dma_wait3A_12 = tpu.memref_slice %arg4[%mul3A_2, %dma_wait3A_11] : memref<2048x768xf32, #tpu.memory_space<hbm>> -> memref<64x768xf32, #tpu.memory_space<hbm>>
      %dma_wait3A_13 = arith.constant 0 : i32
      %dma_wait3A_14 = tpu.memref_slice %arg4[%mul3A_2, %dma_wait3A_13] : memref<2048x768xf32, #tpu.memory_space<hbm>> -> memref<64x768xf32, #tpu.memory_space<hbm>>
      tpu.wait_dma2 semaphore(%run_scoped3A : memref<!tpu.dma_semaphore, #tpu.memory_space<semaphore_mem>>) src(%arg6 : memref<64x768xf32, #tpu.memory_space<vmem>>) dst(%dma_wait3A_14 : memref<64x768xf32, #tpu.memory_space<hbm>>)
      tpu.yield
    }) : () -> ()
    return
  }
}

module attributes {stable_mosaic.version = 14 : i64} {
  func.func @_expert_body(%arg0: i32, %arg1: i32, %arg2: memref<1024x768xf32, #tpu.memory_space<vmem>>, %arg3: memref<1024x8xf32, #tpu.memory_space<vmem>>, %arg4: memref<1x1024x768xf32, #tpu.memory_space<vmem>>, %arg5: memref<1x1x1024xf32, #tpu.memory_space<vmem>>, %arg6: memref<1x768x1024xf32, #tpu.memory_space<vmem>>, %arg7: memref<1x1x768xf32, #tpu.memory_space<vmem>>, %arg8: memref<1x768xf32, #tpu.memory_space<vmem>>, %arg9: memref<1x768xf32, #tpu.memory_space<vmem>>, %arg10: memref<1024x768xbf16, #tpu.memory_space<vmem>>, %arg11: memref<1024x768xf32, #tpu.memory_space<vmem>>) attributes {dimension_semantics = [#tpu.dimension_semantics<parallel>, #tpu.dimension_semantics<arbitrary>], iteration_bounds = array<i64: 2, 8>, scalar_prefetch = 0 : i64, scratch_operands = 1 : i64, tpu.core_type = #tpu.core_type<tc>, window_params = [{transform_indices = @transform_0, window_bounds = array<i64: 1024, 768>}, {transform_indices = @transform_1, window_bounds = array<i64: 1024, 8>}, {transform_indices = @transform_2, window_bounds = array<i64: 1, 1024, 768>}, {transform_indices = @transform_3, window_bounds = array<i64: 1, 1, 1024>}, {transform_indices = @transform_4, window_bounds = array<i64: 1, 768, 1024>}, {transform_indices = @transform_5, window_bounds = array<i64: 1, 1, 768>}, {pipeline_mode = #tpu.pipeline_mode<synchronous>, transform_indices = @transform_6, window_bounds = array<i64: 1, 768>}, {pipeline_mode = #tpu.pipeline_mode<synchronous>, transform_indices = @transform_7, window_bounds = array<i64: 1, 768>}, {transform_indices = @transform_8, window_bounds = array<i64: 1024, 768>}]} {
    %eq3A = arith.constant 0 : i32
    %eq3A_0 = arith.cmpi eq, %arg1, %eq3A : i32
    %convert_element_type3A = arith.extui %eq3A_0 : i1 to i32
    %cond3A = arith.constant 0 : i32
    %cond3A_1 = arith.cmpi ne, %convert_element_type3A, %cond3A : i32
    scf.if %cond3A_1 {
      %broadcast_in_dim3A_64 = arith.constant 0.000000e+00 : f32
      %broadcast_in_dim3A_65 = vector.broadcast %broadcast_in_dim3A_64 : f32 to vector<1024x768xf32>
      %swap3A_66 = arith.constant 0 : index
      %swap3A_67 = arith.constant 0 : index
      %swap3A_68 = vector.load %arg11[%swap3A_66, %swap3A_67] : memref<1024x768xf32, #tpu.memory_space<vmem>>, vector<1024x768xf32>
      tpu.vector_store %arg11[%swap3A_66, %swap3A_67], %broadcast_in_dim3A_65 {strides = array<i32>} : memref<1024x768xf32, #tpu.memory_space<vmem>>, vector<1024x768xf32>,
    } else {
    }
    %get3A = arith.constant 0 : index
    %get3A_2 = arith.constant 0 : index
    %get3A_3 = vector.load %arg2[%get3A, %get3A_2] : memref<1024x768xf32, #tpu.memory_space<vmem>>, vector<1024x768xf32>
    %convert_element_type3A_4 = arith.truncf %get3A_3 : vector<1024x768xf32> to vector<1024x768xbf16>
    %get3A_5 = arith.constant 0 : index
    %get3A_6 = arith.constant 0 : index
    %get3A_7 = arith.constant 0 : index
    %get3A_8 = vector.load %arg4[%get3A_5, %get3A_6, %get3A_7] : memref<1x1024x768xf32, #tpu.memory_space<vmem>>, vector<1x1024x768xf32>
    %get3A_9 = vector.shape_cast %get3A_8 : vector<1x1024x768xf32> to vector<1024x768xf32>
    %convert_element_type3A_10 = arith.truncf %get3A_9 : vector<1024x768xf32> to vector<1024x768xbf16>
    %dot_general3A = arith.constant dense<0.000000e+00> : vector<1024x1024xf32>
    %dot_general3A_11 = tpu.matmul %convert_element_type3A_4, %convert_element_type3A_10, %dot_general3A {dimension_numbers = #tpu.dot_dimension_numbers<[1], [1], [0], [0], [0, 0, 1, 0], [], []>, transpose_lhs_hint = false} : vector<1024x768xbf16>, vector<1024x768xbf16>, vector<1024x1024xf32> -> vector<1024x1024xf32>
    %get3A_12 = arith.constant 0 : index
    %get3A_13 = arith.constant 0 : index
    %get3A_14 = arith.constant 0 : index
    %get3A_15 = vector.load %arg5[%get3A_12, %get3A_13, %get3A_14] : memref<1x1x1024xf32, #tpu.memory_space<vmem>>, vector<1x1x1024xf32>
    %get3A_16 = vector.shape_cast %get3A_15 : vector<1x1x1024xf32> to vector<1x1024xf32>
    %add3A = vector.broadcast %get3A_16 : vector<1x1024xf32> to vector<1024x1024xf32>
    %add3A_17 = arith.addf %dot_general3A_11, %add3A : vector<1024x1024xf32>
    %sqrt3A = arith.constant 2.000000e+00 : f32
    %sqrt3A_18 = math.sqrt %sqrt3A : f32
    %div3A = vector.broadcast %sqrt3A_18 : f32 to vector<1024x1024xf32>
    %div3A_19 = arith.divf %add3A_17, %div3A : vector<1024x1024xf32>
    %erf3A = math.erf %div3A_19 : vector<1024x1024xf32>
    %add3A_20 = arith.constant 1.000000e+00 : f32
    %add3A_21 = vector.broadcast %add3A_20 : f32 to vector<1024x1024xf32>
    %add3A_22 = arith.addf %erf3A, %add3A_21 : vector<1024x1024xf32>
    %mul3A = arith.mulf %add3A_17, %add3A_22 : vector<1024x1024xf32>
    %div3A_23 = arith.constant 2.000000e+00 : f32
    %div3A_24 = vector.broadcast %div3A_23 : f32 to vector<1024x1024xf32>
    %div3A_25 = arith.divf %mul3A, %div3A_24 : vector<1024x1024xf32>
    %convert_element_type3A_26 = arith.truncf %div3A_25 : vector<1024x1024xf32> to vector<1024x1024xbf16>
    %get3A_27 = arith.constant 0 : index
    %get3A_28 = arith.constant 0 : index
    %get3A_29 = arith.constant 0 : index
    %get3A_30 = vector.load %arg6[%get3A_27, %get3A_28, %get3A_29] : memref<1x768x1024xf32, #tpu.memory_space<vmem>>, vector<1x768x1024xf32>
    %get3A_31 = vector.shape_cast %get3A_30 : vector<1x768x1024xf32> to vector<768x1024xf32>
    %convert_element_type3A_32 = arith.truncf %get3A_31 : vector<768x1024xf32> to vector<768x1024xbf16>
    %dot_general3A_33 = arith.constant dense<0.000000e+00> : vector<1024x768xf32>
    %dot_general3A_34 = tpu.matmul %convert_element_type3A_26, %convert_element_type3A_32, %dot_general3A_33 {dimension_numbers = #tpu.dot_dimension_numbers<[1], [1], [0], [0], [0, 0, 1, 0], [], []>, transpose_lhs_hint = false} : vector<1024x1024xbf16>, vector<768x1024xbf16>, vector<1024x768xf32> -> vector<1024x768xf32>
    %get3A_35 = arith.constant 0 : index
    %get3A_36 = arith.constant 0 : index
    %get3A_37 = arith.constant 0 : index
    %get3A_38 = vector.load %arg7[%get3A_35, %get3A_36, %get3A_37] : memref<1x1x768xf32, #tpu.memory_space<vmem>>, vector<1x1x768xf32>
    %get3A_39 = vector.shape_cast %get3A_38 : vector<1x1x768xf32> to vector<1x768xf32>
    %add3A_40 = vector.broadcast %get3A_39 : vector<1x768xf32> to vector<1024x768xf32>
    %add3A_41 = arith.addf %dot_general3A_34, %add3A_40 : vector<1024x768xf32>
    %iota3A = tpu.iota {dimensions = array<i32: 1>} : vector<1024x8xi32>
    %get3A_42 = arith.constant 0 : index
    %get3A_43 = arith.constant 0 : index
    %get3A_44 = vector.load %arg3[%get3A_42, %get3A_43] : memref<1024x8xf32, #tpu.memory_space<vmem>>, vector<1024x8xf32>
    %eq3A_45 = vector.broadcast %arg1 : i32 to vector<1024x8xi32>
    %eq3A_46 = arith.cmpi eq, %iota3A, %eq3A_45 : vector<1024x8xi32>
    %convert_element_type3A_47 = arith.extui %eq3A_46 : vector<1024x8xi1> to vector<1024x8xi32>
    %convert_element_type3A_48 = arith.sitofp %convert_element_type3A_47 : vector<1024x8xi32> to vector<1024x8xf32>
    %mul3A_49 = arith.mulf %get3A_44, %convert_element_type3A_48 : vector<1024x8xf32>
    %reduce_sum3A = arith.constant dense<0.000000e+00> : vector<1024xf32>
    %reduce_sum3A_50 = vector.multi_reduction <add>, %mul3A_49, %reduce_sum3A [1] : vector<1024x8xf32> to vector<1024xf32>
    %broadcast_in_dim3A = vector.shape_cast %reduce_sum3A_50 : vector<1024xf32> to vector<1024x1xf32>
    %get3A_51 = arith.constant 0 : index
    %get3A_52 = arith.constant 0 : index
    %get3A_53 = vector.load %arg11[%get3A_51, %get3A_52] : memref<1024x768xf32, #tpu.memory_space<vmem>>, vector<1024x768xf32>
    %mul3A_54 = vector.broadcast %broadcast_in_dim3A : vector<1024x1xf32> to vector<1024x768xf32>
    %mul3A_55 = arith.mulf %add3A_41, %mul3A_54 : vector<1024x768xf32>
    %add3A_56 = arith.addf %get3A_53, %mul3A_55 : vector<1024x768xf32>
    %swap3A = arith.constant 0 : index
    %swap3A_57 = arith.constant 0 : index
    %swap3A_58 = vector.load %arg11[%swap3A, %swap3A_57] : memref<1024x768xf32, #tpu.memory_space<vmem>>, vector<1024x768xf32>
    tpu.vector_store %arg11[%swap3A, %swap3A_57], %add3A_56 {strides = array<i32>} : memref<1024x768xf32, #tpu.memory_space<vmem>>, vector<1024x768xf32>,
    %eq3A_59 = arith.constant 7 : i32
    %eq3A_60 = arith.cmpi eq, %arg1, %eq3A_59 : i32
    %convert_element_type3A_61 = arith.extui %eq3A_60 : i1 to i32
    %cond3A_62 = arith.constant 0 : i32
    %cond3A_63 = arith.cmpi ne, %convert_element_type3A_61, %cond3A_62 : i32
    scf.if %cond3A_63 {
      %get3A_64 = arith.constant 0 : index
      %get3A_65 = arith.constant 0 : index
      %get3A_66 = vector.load %arg11[%get3A_64, %get3A_65] : memref<1024x768xf32, #tpu.memory_space<vmem>>, vector<1024x768xf32>
      %reduce_sum3A_67 = arith.constant dense<0.000000e+00> : vector<1024xf32>
      %reduce_sum3A_68 = vector.multi_reduction <add>, %get3A_66, %reduce_sum3A_67 [1] : vector<1024x768xf32> to vector<1024xf32>
      %broadcast_in_dim3A_69 = vector.shape_cast %reduce_sum3A_68 : vector<1024xf32> to vector<1024x1xf32>
      %div3A_70 = arith.constant 7.680000e+02 : f32
      %div3A_71 = vector.broadcast %div3A_70 : f32 to vector<1024x1xf32>
      %div3A_72 = arith.divf %broadcast_in_dim3A_69, %div3A_71 : vector<1024x1xf32>
      %sub3A = vector.broadcast %div3A_72 : vector<1024x1xf32> to vector<1024x768xf32>
      %sub3A_73 = arith.subf %get3A_66, %sub3A : vector<1024x768xf32>
      %integer_pow3A = arith.mulf %sub3A_73, %sub3A_73 : vector<1024x768xf32>
      %reduce_sum3A_74 = arith.constant dense<0.000000e+00> : vector<1024xf32>
      %reduce_sum3A_75 = vector.multi_reduction <add>, %integer_pow3A, %reduce_sum3A_74 [1] : vector<1024x768xf32> to vector<1024xf32>
      %broadcast_in_dim3A_76 = vector.shape_cast %reduce_sum3A_75 : vector<1024xf32> to vector<1024x1xf32>
      %div3A_77 = arith.constant 7.680000e+02 : f32
      %div3A_78 = vector.broadcast %div3A_77 : f32 to vector<1024x1xf32>
      %div3A_79 = arith.divf %broadcast_in_dim3A_76, %div3A_78 : vector<1024x1xf32>
      %sub3A_80 = vector.broadcast %div3A_72 : vector<1024x1xf32> to vector<1024x768xf32>
      %sub3A_81 = arith.subf %get3A_66, %sub3A_80 : vector<1024x768xf32>
      %add3A_82 = arith.constant 9.99999974E-6 : f32
      %add3A_83 = vector.broadcast %add3A_82 : f32 to vector<1024x1xf32>
      %add3A_84 = arith.addf %div3A_79, %add3A_83 : vector<1024x1xf32>
      %sqrt3A_85 = math.sqrt %add3A_84 : vector<1024x1xf32>
      %div3A_86 = vector.broadcast %sqrt3A_85 : vector<1024x1xf32> to vector<1024x768xf32>
      %div3A_87 = arith.divf %sub3A_81, %div3A_86 : vector<1024x768xf32>
      %get3A_88 = arith.constant 0 : index
      %get3A_89 = arith.constant 0 : index
      %get3A_90 = vector.load %arg8[%get3A_88, %get3A_89] : memref<1x768xf32, #tpu.memory_space<vmem>>, vector<1x768xf32>
      %mul3A_91 = vector.broadcast %get3A_90 : vector<1x768xf32> to vector<1024x768xf32>
      %mul3A_92 = arith.mulf %div3A_87, %mul3A_91 : vector<1024x768xf32>
      %get3A_93 = arith.constant 0 : index
      %get3A_94 = arith.constant 0 : index
      %get3A_95 = vector.load %arg9[%get3A_93, %get3A_94] : memref<1x768xf32, #tpu.memory_space<vmem>>, vector<1x768xf32>
      %add3A_96 = vector.broadcast %get3A_95 : vector<1x768xf32> to vector<1024x768xf32>
      %add3A_97 = arith.addf %mul3A_92, %add3A_96 : vector<1024x768xf32>
      %convert_element_type3A_98 = arith.truncf %add3A_97 : vector<1024x768xf32> to vector<1024x768xbf16>
      %swap3A_99 = arith.constant 0 : index
      %swap3A_100 = arith.constant 0 : index
      %swap3A_101 = vector.load %arg10[%swap3A_99, %swap3A_100] : memref<1024x768xbf16, #tpu.memory_space<vmem>>, vector<1024x768xbf16>
      tpu.vector_store %arg10[%swap3A_99, %swap3A_100], %convert_element_type3A_98 {strides = array<i32>} : memref<1024x768xbf16, #tpu.memory_space<vmem>>, vector<1024x768xbf16>,
    } else {
    }
    return
  }
  func.func @transform_0(%arg0: i32, %arg1: i32) -> (i32, i32) {
    %c0_i32 = arith.constant 0 : i32
    %c0_i32_0 = arith.constant 0 : i32
    return %arg0, %c0_i32 : i32, i32
  }
  func.func @transform_1(%arg0: i32, %arg1: i32) -> (i32, i32) {
    %c0_i32 = arith.constant 0 : i32
    %c0_i32_0 = arith.constant 0 : i32
    return %arg0, %c0_i32 : i32, i32
  }
  func.func @transform_2(%arg0: i32, %arg1: i32) -> (i32, i32, i32) {
    %c0_i32 = arith.constant 0 : i32
    %c0_i32_0 = arith.constant 0 : i32
    %c0_i32_1 = arith.constant 0 : i32
    return %arg1, %c0_i32, %c0_i32_0 : i32, i32, i32
  }
  func.func @transform_3(%arg0: i32, %arg1: i32) -> (i32, i32, i32) {
    %c0_i32 = arith.constant 0 : i32
    %c0_i32_0 = arith.constant 0 : i32
    %c0_i32_1 = arith.constant 0 : i32
    return %arg1, %c0_i32, %c0_i32_0 : i32, i32, i32
  }
  func.func @transform_4(%arg0: i32, %arg1: i32) -> (i32, i32, i32) {
    %c0_i32 = arith.constant 0 : i32
    %c0_i32_0 = arith.constant 0 : i32
    %c0_i32_1 = arith.constant 0 : i32
    return %arg1, %c0_i32, %c0_i32_0 : i32, i32, i32
  }
  func.func @transform_5(%arg0: i32, %arg1: i32) -> (i32, i32, i32) {
    %c0_i32 = arith.constant 0 : i32
    %c0_i32_0 = arith.constant 0 : i32
    %c0_i32_1 = arith.constant 0 : i32
    return %arg1, %c0_i32, %c0_i32_0 : i32, i32, i32
  }
  func.func @transform_6(%arg0: i32, %arg1: i32) -> (i32, i32) {
    %c0_i32 = arith.constant 0 : i32
    %c0_i32_0 = arith.constant 0 : i32
    %c0_i32_1 = arith.constant 0 : i32
    return %c0_i32, %c0_i32_0 : i32, i32
  }
  func.func @transform_7(%arg0: i32, %arg1: i32) -> (i32, i32) {
    %c0_i32 = arith.constant 0 : i32
    %c0_i32_0 = arith.constant 0 : i32
    %c0_i32_1 = arith.constant 0 : i32
    return %c0_i32, %c0_i32_0 : i32, i32
  }
  func.func @transform_8(%arg0: i32, %arg1: i32) -> (i32, i32) {
    %c0_i32 = arith.constant 0 : i32
    %c0_i32_0 = arith.constant 0 : i32
    return %arg0, %c0_i32 : i32, i32
  }
}

module attributes {stable_mosaic.version = 14 : i64} {
  func.func @_router_body(%arg0: memref<2048x768xf32, #tpu.memory_space<vmem>>, %arg1: memref<8x768xf32, #tpu.memory_space<vmem>>, %arg2: memref<1x8xf32, #tpu.memory_space<vmem>>, %arg3: memref<2048x8xf32, #tpu.memory_space<vmem>>, %arg4: memref<1x1xf32, #tpu.memory_space<vmem>>) attributes {dimension_semantics = [], scalar_prefetch = 0 : i64, scratch_operands = 0 : i64, tpu.core_type = #tpu.core_type<tc>} {
    %get3A = arith.constant 0 : index
    %get3A_0 = arith.constant 0 : index
    %get3A_1 = vector.load %arg0[%get3A, %get3A_0] : memref<2048x768xf32, #tpu.memory_space<vmem>>, vector<2048x768xf32>
    %convert_element_type3A = arith.truncf %get3A_1 : vector<2048x768xf32> to vector<2048x768xbf16>
    %get3A_2 = arith.constant 0 : index
    %get3A_3 = arith.constant 0 : index
    %get3A_4 = vector.load %arg1[%get3A_2, %get3A_3] : memref<8x768xf32, #tpu.memory_space<vmem>>, vector<8x768xf32>
    %convert_element_type3A_5 = arith.truncf %get3A_4 : vector<8x768xf32> to vector<8x768xbf16>
    %dot_general3A = arith.constant dense<0.000000e+00> : vector<2048x8xf32>
    %dot_general3A_6 = tpu.matmul %convert_element_type3A, %convert_element_type3A_5, %dot_general3A {dimension_numbers = #tpu.dot_dimension_numbers<[1], [1], [0], [0], [0, 0, 1, 0], [], []>, transpose_lhs_hint = false} : vector<2048x768xbf16>, vector<8x768xbf16>, vector<2048x8xf32> -> vector<2048x8xf32>
    %get3A_7 = arith.constant 0 : index
    %get3A_8 = arith.constant 0 : index
    %get3A_9 = vector.load %arg2[%get3A_7, %get3A_8] : memref<1x8xf32, #tpu.memory_space<vmem>>, vector<1x8xf32>
    %add3A = vector.broadcast %get3A_9 : vector<1x8xf32> to vector<2048x8xf32>
    %add3A_10 = arith.addf %dot_general3A_6, %add3A : vector<2048x8xf32>
    %iota3A = tpu.iota {dimensions = array<i32: 1>} : vector<2048x8xi32>
    %reduce_max3A = arith.constant dense<0xFF800000> : vector<2048xf32>
    %reduce_max3A_11 = vector.multi_reduction <maximumf>, %add3A_10, %reduce_max3A [1] : vector<2048x8xf32> to vector<2048xf32>
    %broadcast_in_dim3A = vector.shape_cast %reduce_max3A_11 : vector<2048xf32> to vector<2048x1xf32>
    %eq3A = vector.broadcast %broadcast_in_dim3A : vector<2048x1xf32> to vector<2048x8xf32>
    %eq3A_12 = arith.cmpf oeq, %add3A_10, %eq3A : vector<2048x8xf32>
    %jit3A = arith.constant 8 : i32
    %broadcast_in_dim3A_13 = vector.broadcast %jit3A : i32 to vector<2048x8xi32>
    %select_n3A = arith.select %eq3A_12, %iota3A, %broadcast_in_dim3A_13 : vector<2048x8xi1>, vector<2048x8xi32>
    %reduce_min3A = arith.constant dense<2147483647> : vector<2048xi32>
    %reduce_min3A_14 = vector.multi_reduction <minsi>, %select_n3A, %reduce_min3A [1] : vector<2048x8xi32> to vector<2048xi32>
    %broadcast_in_dim3A_15 = vector.shape_cast %reduce_min3A_14 : vector<2048xi32> to vector<2048x1xi32>
    %eq3A_16 = vector.broadcast %broadcast_in_dim3A_15 : vector<2048x1xi32> to vector<2048x8xi32>
    %eq3A_17 = arith.cmpi eq, %iota3A, %eq3A_16 : vector<2048x8xi32>
    %jit3A_18 = arith.constant 0xFF800000 : f32
    %broadcast_in_dim3A_19 = vector.broadcast %jit3A_18 : f32 to vector<2048x8xf32>
    %select_n3A_20 = arith.select %eq3A_17, %broadcast_in_dim3A_19, %add3A_10 : vector<2048x8xi1>, vector<2048x8xf32>
    %reduce_max3A_21 = arith.constant dense<0xFF800000> : vector<2048xf32>
    %reduce_max3A_22 = vector.multi_reduction <maximumf>, %select_n3A_20, %reduce_max3A_21 [1] : vector<2048x8xf32> to vector<2048xf32>
    %broadcast_in_dim3A_23 = vector.shape_cast %reduce_max3A_22 : vector<2048xf32> to vector<2048x1xf32>
    %eq3A_24 = vector.broadcast %broadcast_in_dim3A_23 : vector<2048x1xf32> to vector<2048x8xf32>
    %eq3A_25 = arith.cmpf oeq, %select_n3A_20, %eq3A_24 : vector<2048x8xf32>
    %jit3A_26 = arith.constant 8 : i32
    %broadcast_in_dim3A_27 = vector.broadcast %jit3A_26 : i32 to vector<2048x8xi32>
    %select_n3A_28 = arith.select %eq3A_25, %iota3A, %broadcast_in_dim3A_27 : vector<2048x8xi1>, vector<2048x8xi32>
    %reduce_min3A_29 = arith.constant dense<2147483647> : vector<2048xi32>
    %reduce_min3A_30 = vector.multi_reduction <minsi>, %select_n3A_28, %reduce_min3A_29 [1] : vector<2048x8xi32> to vector<2048xi32>
    %broadcast_in_dim3A_31 = vector.shape_cast %reduce_min3A_30 : vector<2048xi32> to vector<2048x1xi32>
    %eq3A_32 = vector.broadcast %broadcast_in_dim3A_31 : vector<2048x1xi32> to vector<2048x8xi32>
    %eq3A_33 = arith.cmpi eq, %iota3A, %eq3A_32 : vector<2048x8xi32>
    %sub3A = arith.subf %broadcast_in_dim3A_23, %broadcast_in_dim3A : vector<2048x1xf32>
    %exp3A = math.exp %sub3A : vector<2048x1xf32>
    %add3A_34 = arith.constant 1.000000e+00 : f32
    %add3A_35 = vector.broadcast %add3A_34 : f32 to vector<2048x1xf32>
    %add3A_36 = arith.addf %add3A_35, %exp3A : vector<2048x1xf32>
    %div3A = arith.constant 1.000000e+00 : f32
    %div3A_37 = vector.broadcast %div3A : f32 to vector<2048x1xf32>
    %div3A_38 = arith.divf %div3A_37, %add3A_36 : vector<2048x1xf32>
    %div3A_39 = arith.divf %exp3A, %add3A_36 : vector<2048x1xf32>
    %convert_element_type3A_40 = arith.extui %eq3A_17 : vector<2048x8xi1> to vector<2048x8xi32>
    %convert_element_type3A_41 = arith.sitofp %convert_element_type3A_40 : vector<2048x8xi32> to vector<2048x8xf32>
    %convert_element_type3A_42 = arith.extui %eq3A_33 : vector<2048x8xi1> to vector<2048x8xi32>
    %convert_element_type3A_43 = arith.sitofp %convert_element_type3A_42 : vector<2048x8xi32> to vector<2048x8xf32>
    %mul3A = vector.broadcast %div3A_38 : vector<2048x1xf32> to vector<2048x8xf32>
    %mul3A_44 = arith.mulf %convert_element_type3A_41, %mul3A : vector<2048x8xf32>
    %mul3A_45 = vector.broadcast %div3A_39 : vector<2048x1xf32> to vector<2048x8xf32>
    %mul3A_46 = arith.mulf %convert_element_type3A_43, %mul3A_45 : vector<2048x8xf32>
    %add3A_47 = arith.addf %mul3A_44, %mul3A_46 : vector<2048x8xf32>
    %add3A_48 = arith.addf %convert_element_type3A_41, %convert_element_type3A_43 : vector<2048x8xf32>
    %reduce_sum3A = arith.constant dense<0.000000e+00> : vector<8xf32>
    %reduce_sum3A_49 = vector.multi_reduction <add>, %add3A_48, %reduce_sum3A [0] : vector<2048x8xf32> to vector<8xf32>
    %broadcast_in_dim3A_50 = vector.shape_cast %reduce_sum3A_49 : vector<8xf32> to vector<1x8xf32>
    %reduce_sum3A_51 = arith.constant dense<0.000000e+00> : vector<8xf32>
    %reduce_sum3A_52 = vector.multi_reduction <add>, %add3A_47, %reduce_sum3A_51 [0] : vector<2048x8xf32> to vector<8xf32>
    %broadcast_in_dim3A_53 = vector.shape_cast %reduce_sum3A_52 : vector<8xf32> to vector<1x8xf32>
    %gt3A = arith.constant 0.000000e+00 : f32
    %gt3A_54 = vector.broadcast %gt3A : f32 to vector<1x8xf32>
    %gt3A_55 = arith.cmpf ogt, %broadcast_in_dim3A_50, %gt3A_54 : vector<1x8xf32>
    %max3A = arith.constant 1.000000e+00 : f32
    %max3A_56 = vector.broadcast %max3A : f32 to vector<1x8xf32>
    %max3A_57 = arith.maximumf %broadcast_in_dim3A_50, %max3A_56 : vector<1x8xf32>
    %div3A_58 = arith.divf %broadcast_in_dim3A_53, %max3A_57 : vector<1x8xf32>
    %jit3A_59 = arith.constant 0.000000e+00 : f32
    %broadcast_in_dim3A_60 = vector.broadcast %jit3A_59 : f32 to vector<1x8xf32>
    %select_n3A_61 = arith.select %gt3A_55, %div3A_58, %broadcast_in_dim3A_60 : vector<1x8xi1>, vector<1x8xf32>
    %add3A_62 = arith.addf %convert_element_type3A_41, %convert_element_type3A_43 : vector<2048x8xf32>
    %mul3A_63 = vector.broadcast %select_n3A_61 : vector<1x8xf32> to vector<2048x8xf32>
    %mul3A_64 = arith.mulf %mul3A_63, %add3A_62 : vector<2048x8xf32>
    %swap3A = arith.constant 0 : index
    %swap3A_65 = arith.constant 0 : index
    %swap3A_66 = vector.load %arg3[%swap3A, %swap3A_65] : memref<2048x8xf32, #tpu.memory_space<vmem>>, vector<2048x8xf32>
    tpu.vector_store %arg3[%swap3A, %swap3A_65], %mul3A_64 {strides = array<i32>} : memref<2048x8xf32, #tpu.memory_space<vmem>>, vector<2048x8xf32>,
    %sub3A_67 = arith.constant 2.560000e+02 : f32
    %sub3A_68 = vector.broadcast %sub3A_67 : f32 to vector<1x8xf32>
    %sub3A_69 = arith.subf %broadcast_in_dim3A_50, %sub3A_68 : vector<1x8xf32>
    %integer_pow3A = arith.mulf %sub3A_69, %sub3A_69 : vector<1x8xf32>
    %reduce_sum3A_70 = vector.shape_cast %integer_pow3A : vector<1x8xf32> to vector<1x1x8xf32>
    %reduce_sum3A_71 = arith.constant dense<0.000000e+00> : vector<1xf32>
    %reduce_sum3A_72 = vector.multi_reduction <add>, %reduce_sum3A_70, %reduce_sum3A_71 [1, 2] : vector<1x1x8xf32> to vector<1xf32>
    %reduce_sum3A_73 = vector.shape_cast %reduce_sum3A_72 : vector<1xf32> to vector<1x1x1xf32>
    %reduce_sum3A_74 = vector.extract %reduce_sum3A_73[0, 0, 0] : f32 from vector<1x1x1xf32>
    %div3A_75 = arith.constant 8.000000e+00 : f32
    %div3A_76 = arith.divf %reduce_sum3A_74, %div3A_75 : f32
    %mul3A_77 = arith.constant 0.00999999977 : f32
    %mul3A_78 = arith.mulf %div3A_76, %mul3A_77 : f32
    %reshape3A = vector.broadcast %mul3A_78 : f32 to vector<1x1xf32>
    %swap3A_79 = arith.constant 0 : index
    %swap3A_80 = arith.constant 0 : index
    %swap3A_81 = vector.load %arg4[%swap3A_79, %swap3A_80] : memref<1x1xf32, #tpu.memory_space<vmem>>, vector<1x1xf32>
    tpu.vector_store %arg4[%swap3A_79, %swap3A_80], %reshape3A {strides = array<i32>} : memref<1x1xf32, #tpu.memory_space<vmem>>, vector<1x1xf32>,
    return
  }
}

module attributes {stable_mosaic.version = 14 : i64} {
  func.func @_head_body(%arg0: i32, %arg1: memref<2048x768xbf16, #tpu.memory_space<vmem>>, %arg2: memref<1024x768xf32, #tpu.memory_space<vmem>>, %arg3: memref<1x1024xf32, #tpu.memory_space<vmem>>, %arg4: memref<1x2048x100000xf32, #tpu.memory_space<any>>, %arg5: memref<2048x672xf32, #tpu.memory_space<vmem>>, %arg6: memref<2x2048x1024xf32, #tpu.memory_space<vmem>>, %arg7: memref<2x!tpu.dma_semaphore, #tpu.memory_space<semaphore_mem>>) attributes {dimension_semantics = [#tpu.dimension_semantics<arbitrary>], iteration_bounds = array<i64: 98>, scalar_prefetch = 0 : i64, scratch_operands = 2 : i64, tpu.core_type = #tpu.core_type<tc>, window_params = [{pipeline_mode = #tpu.pipeline_mode<synchronous>, transform_indices = @transform_0, window_bounds = array<i64: 2048, 768>}, {transform_indices = @transform_1, window_bounds = array<i64: 1024, 768>}, {transform_indices = @transform_2, window_bounds = array<i64: 1, 1024>}, {}, {pipeline_mode = #tpu.pipeline_mode<synchronous>, transform_indices = @transform_4, window_bounds = array<i64: 2048, 672>}]} {
    %rem3A = arith.constant 2 : i32
    %rem3A_0 = arith.remsi %arg0, %rem3A : i32
    %ge3A = arith.constant 2 : i32
    %ge3A_1 = arith.cmpi sge, %arg0, %ge3A : i32
    %convert_element_type3A = arith.extui %ge3A_1 : i1 to i32
    %cond3A = arith.constant 0 : i32
    %cond3A_2 = arith.cmpi ne, %convert_element_type3A, %cond3A : i32
    scf.if %cond3A_2 {
      %sub3A = arith.constant 2 : i32
      %sub3A_22 = arith.subi %arg0, %sub3A : i32
      %mul3A = arith.constant 1024 : i32
      %mul3A_23 = arith.muli %sub3A_22, %mul3A : i32
      %dma_wait3A = arith.constant 0 : i32
      %dma_wait3A_24 = tpu.memref_slice %arg7[%rem3A_0] : memref<2x!tpu.dma_semaphore, #tpu.memory_space<semaphore_mem>> -> memref<1x!tpu.dma_semaphore, #tpu.memory_space<semaphore_mem>>
      %dma_wait3A_25 = tpu.memref_squeeze %dma_wait3A_24 : memref<1x!tpu.dma_semaphore, #tpu.memory_space<semaphore_mem>> -> memref<!tpu.dma_semaphore, #tpu.memory_space<semaphore_mem>>
      %dma_wait3A_26 = arith.constant 0 : i32
      %dma_wait3A_27 = tpu.memref_slice %arg4[%dma_wait3A, %dma_wait3A_26, %mul3A_23] : memref<1x2048x100000xf32, #tpu.memory_space<any>> -> memref<1x2048x1024xf32, #tpu.memory_space<any>>
      %dma_wait3A_28 = tpu.memref_squeeze %dma_wait3A_27 : memref<1x2048x1024xf32, #tpu.memory_space<any>> -> memref<2048x1024xf32, #tpu.memory_space<any>>
      %dma_wait3A_29 = arith.constant 0 : i32
      %dma_wait3A_30 = arith.constant 0 : i32
      %dma_wait3A_31 = tpu.memref_slice %arg6[%rem3A_0, %dma_wait3A_29, %dma_wait3A_30] : memref<2x2048x1024xf32, #tpu.memory_space<vmem>> -> memref<1x2048x1024xf32, #tpu.memory_space<vmem>>
      %dma_wait3A_32 = tpu.memref_squeeze %dma_wait3A_31 : memref<1x2048x1024xf32, #tpu.memory_space<vmem>> -> memref<2048x1024xf32, #tpu.memory_space<vmem>>
      tpu.wait_dma2 semaphore(%dma_wait3A_25 : memref<!tpu.dma_semaphore, #tpu.memory_space<semaphore_mem>>) src(%dma_wait3A_32 : memref<2048x1024xf32, #tpu.memory_space<vmem>>) dst(%dma_wait3A_28 : memref<2048x1024xf32, #tpu.memory_space<any>>)
    } else {
    }
    %get3A = arith.constant 0 : index
    %get3A_3 = arith.constant 0 : index
    %get3A_4 = vector.load %arg1[%get3A, %get3A_3] : memref<2048x768xbf16, #tpu.memory_space<vmem>>, vector<2048x768xbf16>
    %get3A_5 = arith.constant 0 : index
    %get3A_6 = arith.constant 0 : index
    %get3A_7 = vector.load %arg2[%get3A_5, %get3A_6] : memref<1024x768xf32, #tpu.memory_space<vmem>>, vector<1024x768xf32>
    %convert_element_type3A_8 = arith.truncf %get3A_7 : vector<1024x768xf32> to vector<1024x768xbf16>
    %dot_general3A = arith.constant dense<0.000000e+00> : vector<2048x1024xf32>
    %dot_general3A_9 = tpu.matmul %get3A_4, %convert_element_type3A_8, %dot_general3A {dimension_numbers = #tpu.dot_dimension_numbers<[1], [1], [0], [0], [0, 0, 1, 0], [], []>, transpose_lhs_hint = false} : vector<2048x768xbf16>, vector<1024x768xbf16>, vector<2048x1024xf32> -> vector<2048x1024xf32>
    %get3A_10 = arith.constant 0 : index
    %get3A_11 = arith.constant 0 : index
    %get3A_12 = vector.load %arg3[%get3A_10, %get3A_11] : memref<1x1024xf32, #tpu.memory_space<vmem>>, vector<1x1024xf32>
    %add3A = vector.broadcast %get3A_12 : vector<1x1024xf32> to vector<2048x1024xf32>
    %add3A_13 = arith.addf %dot_general3A_9, %add3A : vector<2048x1024xf32>
    %lt3A = arith.constant 97 : i32
    %lt3A_14 = arith.cmpi slt, %arg0, %lt3A : i32
    %convert_element_type3A_15 = arith.extui %lt3A_14 : i1 to i32
    %cond3A_16 = arith.constant 0 : i32
    %cond3A_17 = arith.cmpi ne, %convert_element_type3A_15, %cond3A_16 : i32
    scf.if %cond3A_17 {
      %swap3A = arith.index_cast %rem3A_0 : i32 to index
      %swap3A_22 = arith.constant 0 : index
      %swap3A_23 = arith.constant 0 : index
      %swap3A_24 = vector.load %arg6[%swap3A, %swap3A_22, %swap3A_23] : memref<2x2048x1024xf32, #tpu.memory_space<vmem>>, vector<1x2048x1024xf32>
      %swap3A_25 = vector.shape_cast %swap3A_24 : vector<1x2048x1024xf32> to vector<2048x1024xf32>
      %swap3A_26 = vector.shape_cast %add3A_13 : vector<2048x1024xf32> to vector<1x2048x1024xf32>
      tpu.vector_store %arg6[%swap3A, %swap3A_22, %swap3A_23], %swap3A_26 {strides = array<i32>} : memref<2x2048x1024xf32, #tpu.memory_space<vmem>>, vector<1x2048x1024xf32>,
      %mul3A = arith.constant 1024 : i32
      %mul3A_27 = arith.muli %arg0, %mul3A : i32
      %dma_start3A = arith.constant 0 : i32
      %dma_start3A_28 = tpu.memref_slice %arg7[%rem3A_0] : memref<2x!tpu.dma_semaphore, #tpu.memory_space<semaphore_mem>> -> memref<1x!tpu.dma_semaphore, #tpu.memory_space<semaphore_mem>>
      %dma_start3A_29 = tpu.memref_squeeze %dma_start3A_28 : memref<1x!tpu.dma_semaphore, #tpu.memory_space<semaphore_mem>> -> memref<!tpu.dma_semaphore, #tpu.memory_space<semaphore_mem>>
      %dma_start3A_30 = arith.constant 0 : i32
      %dma_start3A_31 = tpu.memref_slice %arg4[%dma_start3A, %dma_start3A_30, %mul3A_27] : memref<1x2048x100000xf32, #tpu.memory_space<any>> -> memref<1x2048x1024xf32, #tpu.memory_space<any>>
      %dma_start3A_32 = tpu.memref_squeeze %dma_start3A_31 : memref<1x2048x1024xf32, #tpu.memory_space<any>> -> memref<2048x1024xf32, #tpu.memory_space<any>>
      %dma_start3A_33 = arith.constant 0 : i32
      %dma_start3A_34 = arith.constant 0 : i32
      %dma_start3A_35 = tpu.memref_slice %arg6[%rem3A_0, %dma_start3A_33, %dma_start3A_34] : memref<2x2048x1024xf32, #tpu.memory_space<vmem>> -> memref<1x2048x1024xf32, #tpu.memory_space<vmem>>
      %dma_start3A_36 = tpu.memref_squeeze %dma_start3A_35 : memref<1x2048x1024xf32, #tpu.memory_space<vmem>> -> memref<2048x1024xf32, #tpu.memory_space<vmem>>
      tpu.enqueue_dma source(%dma_start3A_36 : memref<2048x1024xf32, #tpu.memory_space<vmem>>) target(%dma_start3A_32 : memref<2048x1024xf32, #tpu.memory_space<any>>) target_semaphore(%dma_start3A_29 : memref<!tpu.dma_semaphore, #tpu.memory_space<semaphore_mem>>)
    } else {
    }
    %eq3A = arith.constant 97 : i32
    %eq3A_18 = arith.cmpi eq, %arg0, %eq3A : i32
    %convert_element_type3A_19 = arith.extui %eq3A_18 : i1 to i32
    %cond3A_20 = arith.constant 0 : i32
    %cond3A_21 = arith.cmpi ne, %convert_element_type3A_19, %cond3A_20 : i32
    scf.if %cond3A_21 {
      %slice3A = vector.extract_strided_slice %add3A_13 {offsets = [0, 0], sizes = [2048, 672], strides = [1, 1]} : vector<2048x1024xf32> to vector<2048x672xf32>
      %swap3A = arith.constant 0 : index
      %swap3A_22 = arith.constant 0 : index
      %swap3A_23 = vector.load %arg5[%swap3A, %swap3A_22] : memref<2048x672xf32, #tpu.memory_space<vmem>>, vector<2048x672xf32>
      tpu.vector_store %arg5[%swap3A, %swap3A_22], %slice3A {strides = array<i32>} : memref<2048x672xf32, #tpu.memory_space<vmem>>, vector<2048x672xf32>,
      %sub3A = arith.constant 1 : i32
      %sub3A_24 = arith.subi %sub3A, %rem3A_0 : i32
      %sub3A_25 = arith.constant 1 : i32
      %sub3A_26 = arith.subi %arg0, %sub3A_25 : i32
      %mul3A = arith.constant 1024 : i32
      %mul3A_27 = arith.muli %sub3A_26, %mul3A : i32
      %sub3A_28 = arith.constant 1 : i32
      %sub3A_29 = arith.subi %sub3A_28, %rem3A_0 : i32
      %dma_wait3A = arith.constant 0 : i32
      %dma_wait3A_30 = tpu.memref_slice %arg7[%sub3A_29] : memref<2x!tpu.dma_semaphore, #tpu.memory_space<semaphore_mem>> -> memref<1x!tpu.dma_semaphore, #tpu.memory_space<semaphore_mem>>
      %dma_wait3A_31 = tpu.memref_squeeze %dma_wait3A_30 : memref<1x!tpu.dma_semaphore, #tpu.memory_space<semaphore_mem>> -> memref<!tpu.dma_semaphore, #tpu.memory_space<semaphore_mem>>
      %dma_wait3A_32 = arith.constant 0 : i32
      %dma_wait3A_33 = tpu.memref_slice %arg4[%dma_wait3A, %dma_wait3A_32, %mul3A_27] : memref<1x2048x100000xf32, #tpu.memory_space<any>> -> memref<1x2048x1024xf32, #tpu.memory_space<any>>
      %dma_wait3A_34 = tpu.memref_squeeze %dma_wait3A_33 : memref<1x2048x1024xf32, #tpu.memory_space<any>> -> memref<2048x1024xf32, #tpu.memory_space<any>>
      %dma_wait3A_35 = arith.constant 0 : i32
      %dma_wait3A_36 = arith.constant 0 : i32
      %dma_wait3A_37 = tpu.memref_slice %arg6[%sub3A_24, %dma_wait3A_35, %dma_wait3A_36] : memref<2x2048x1024xf32, #tpu.memory_space<vmem>> -> memref<1x2048x1024xf32, #tpu.memory_space<vmem>>
      %dma_wait3A_38 = tpu.memref_squeeze %dma_wait3A_37 : memref<1x2048x1024xf32, #tpu.memory_space<vmem>> -> memref<2048x1024xf32, #tpu.memory_space<vmem>>
      tpu.wait_dma2 semaphore(%dma_wait3A_31 : memref<!tpu.dma_semaphore, #tpu.memory_space<semaphore_mem>>) src(%dma_wait3A_38 : memref<2048x1024xf32, #tpu.memory_space<vmem>>) dst(%dma_wait3A_34 : memref<2048x1024xf32, #tpu.memory_space<any>>)
    } else {
    }
    return
  }
  func.func @transform_0(%arg0: i32) -> (i32, i32) {
    %c0_i32 = arith.constant 0 : i32
    %c0_i32_0 = arith.constant 0 : i32
    %c0_i32_1 = arith.constant 0 : i32
    return %c0_i32, %c0_i32_0 : i32, i32
  }
  func.func @transform_1(%arg0: i32) -> (i32, i32) {
    %c0_i32 = arith.constant 0 : i32
    %c0_i32_0 = arith.constant 0 : i32
    return %arg0, %c0_i32 : i32, i32
  }
  func.func @transform_2(%arg0: i32) -> (i32, i32) {
    %c0_i32 = arith.constant 0 : i32
    %c0_i32_0 = arith.constant 0 : i32
    return %c0_i32, %arg0 : i32, i32
  }
  func.func @transform_4(%arg0: i32) -> (i32, i32) {
    %c0_i32 = arith.constant 0 : i32
    %c0_i32_0 = arith.constant 0 : i32
    %c0_i32_1 = arith.constant 0 : i32
    return %c0_i32, %c0_i32_0 : i32, i32
  }
}

</mosaic_0001>

<sc_bundles>
// kernel: kernel.6.cloned.1.call-start
scs
__scs_entry_jumppad:
0x0: {  	(pc) =	sbr.rel $0x88, $3  }
0x1: {  	(tag) =	ssettag $0x0;
	lr =	simm.s32 $0x1  }
0x2: {  	[smem:$0x3F95] =	sst lr;
	_ =	strace $0xD0000000  }
0x3: {  	_ = 	snop  }
0x4: {  	_ = 	snop  }
0x5: {  	_ = 	snop  }
0x6: {  	_ = 	snop  }
0x7: {  	_ = 	snop  }
__scs_overlays_trampoline_lowered:
0x8: {  	[smem:$0x3FA4] =	sst s0  }
0x9: {  	[smem:$0x3FA5] =	sst s1  }
0xa: {  	[smem:$0x3FA6] =	sst s2  }
0xb: {  	[smem:$0x3FA7] =	sst s3  }
0xc: {  	[smem:$0x3FA8] =	sst s4  }
0xd: {  	[smem:$0x3FA9] =	sst s5  }
0xe: {  	[smem:$0x3FAA] =	sst s6  }
0xf: {  	[smem:$0x3FAB] =	sst s7  }
0x10: {  	[smem:$0x3FAC] =	sst s8  }
0x11: {  	[smem:$0x3FAD] =	sst s9;
	s0 =	simm.s32 @!p0 $0x0  }
0x12: {  	s1 =	sld [smem:$0x3F93];
	s0 =	simm.s32 @p0 $0x1  }
0x13: {  	[smem:$0x3FAE] =	sst s0;
	s0 =	simm.s32 @!p1 $0x0  }
0x14: {  	s2 =	sld [smem:$0x3F92];
	s0 =	simm.s32 @p1 $0x1  }
0x15: {  	[smem:$0x3FAF] =	sst s0;
	s0 =	simm.s32 @!p2 $0x0  }
0x16: {  	s3 =	sld [smem:$0x3FDB];
	s0 =	simm.s32 @p2 $0x1  }
0x17: {  	s4 =	simm.s32 $0x1BF5;
	[smem:$0x3FB1] =	sst s0  }
0x18: {  	s0 =	sld [smem:$0x3F94];
	_ =	swait.ge [sflag:s4], $0x0  }
0x19: {  	s7 =	sld [smem:$0x3F95]  }
0x1a: {  	s8 =	sadd.s32 $0xFFFFE003, lr  }
0x1b: {  	s9 =	sadd.s32 $0xFFFFFEF7, lr;
	s5 =	simm.s32 $0xFFFFFFFF;
	p2 =	slt.u32 s8, $0xFFFFF086  }
0x1c: {  	p1 =	slt.u32 s9, $0xF7A;
	s5 =	simm.s32 @!p2 $0x0  }
0x1d: {  	s5 =	simm.s32 @p1 $0x1;
	p0 =	seq.s32 s7, s2  }
0x1e: {  	s7 =	smul.u32 @!p0 $0xF7A, s2;
	p2 =	seq.s32 @!p0 s5, $0x0  }
0x1f: {  	s9 =	smul.u32 $0xF7A, s1;
	s8 =	simm.s32 @!p0 $0x1BF5;
	p2 =	por !p2, p0  }
0x20: {  	[sflag:s8] =	ssyncset.s32 @!p0 $0xFFFFF086;
	s6 =	sadd.s32 @!p0 s3, s7;
	s7 =	simm.s32 @!p0 $0x108  }
0x21: {  	s3 =	sadd.s32 s3, s9;
	s6 =	sadd.s32 @!p0 $0x88, s6;
	s7 =	simm.s32 @p2 $0x1082  }
0x22: {  	[simem:s7], [sflag:s8] =	dma.local @!p0 [hbm:s6], $0xF7A  }
0x23: {  	s9 =	sor.u32 $0xD0000000, s2;
	s6 =	simm.s32 $0x108;
	_ =	swait.ge @!p0 [sflag:s8], $0x0  }
0x24: {  	s3 =	sadd.s32 $0x88, s3;
	s6 =	simm.s32 @!p1 $0x1082;
	[sflag:s4] =	ssyncset.s32 $0xFFFFF086  }
0x25: {  	[simem:s6], [sflag:s4] =	dma.local [hbm:s3], $0xF7A  }
0x26: {  	[smem:$0x3F95] =	sst s1;
	(tag) =	ssettag s2;
	_ =	strace s9  }
0x27: {  	s1 =	sld [smem:$0x3FA5]  }
0x28: {  	s2 =	sld [smem:$0x3FA6]  }
0x29: {  	s4 =	sld [smem:$0x3FA8]  }
0x2a: {  	p0 =	seq.s32 s5, $0x0;
	s5 =	sld [smem:$0x3FA9]  }
0x2b: {  	s6 =	sld [smem:$0x3FAA]  }
0x2c: {  	s7 =	sld [smem:$0x3FAB]  }
0x2d: {  	s3 =	simm.s32 $0x108;
	s8 =	sld [smem:$0x3FAC]  }
0x2e: {  	s3 =	simm.s32 @!p0 $0x1082;
	s9 =	sld [smem:$0x3FAD]  }
0x2f: {  	lr =	sadd.s32 s0, s3;
	s0 =	sld [smem:$0x3FA4]  }
0x30: {  	s3 =	sld [smem:$0x3FA7]  }
0x31: {  	[smem:$0x3FB0] =	sst s10  }
0x32: {  	s10 =	sld [smem:$0x3FAE];
	_ =	sdelay $0x3  }
0x33: {  	p0 =	seq.s32 s10, $0x1;
	s10 =	sld [smem:$0x3FB0];
	_ =	sdelay $0x3  }
0x34: {  	[smem:$0x3FB0] =	sst s10  }
0x35: {  	s10 =	sld [smem:$0x3FAF];
	_ =	sdelay $0x3  }
0x36: {  	p1 =	seq.s32 s10, $0x1;
	s10 =	sld [smem:$0x3FB0];
	_ =	sdelay $0x3  }
0x37: {  	[smem:$0x3FB0] =	sst s10  }
0x38: {  	s10 =	sld [smem:$0x3FB1]  }
0x39: {  	_ = 	snop;
	(pc) =	sbr.ind lr, $3  }
0x3a: {  	_ = 	snop  }
0x3b: {  	_ = 	snop  }
0x3c: {  	p2 =	seq.s32 s10, $0x1;
	s10 =	sld [smem:$0x3FB0]  }
0x3d: {  	_ =	shalt  }
0x3e: {  	_ =	shalt  }
0x3f: {  	_ =	shalt  }
0x40: {  	_ =	shalt  }
0x41: {  	_ =	shalt  }
0x42: {  	_ =	shalt  }
0x43: {  	_ =	shalt  }
0x44: {  	_ =	shalt  }
0x45: {  	_ =	shalt  }
0x46: {  	_ =	shalt  }
0x47: {  	_ =	shalt  }
0x48: {  	_ =	shalt  }
0x49: {  	_ =	shalt  }
0x4a: {  	_ =	shalt  }
0x4b: {  	_ =	shalt  }
0x4c: {  	_ =	shalt  }
0x4d: {  	_ =	shalt  }
0x4e: {  	_ =	shalt  }
0x4f: {  	_ =	shalt  }
0x50: {  	_ =	shalt  }
0x51: {  	_ =	shalt  }
0x52: {  	_ =	shalt  }
0x53: {  	_ =	shalt  }
0x54: {  	_ =	shalt  }
0x55: {  	_ =	shalt  }
0x56: {  	_ =	shalt  }
0x57: {  	_ =	shalt  }
0x58: {  	_ =	shalt  }
0x59: {  	_ =	shalt  }
0x5a: {  	_ =	shalt  }
0x5b: {  	_ =	shalt  }
0x5c: {  	_ =	shalt  }
0x5d: {  	_ =	shalt  }
0x5e: {  	_ =	shalt  }
0x5f: {  	_ =	shalt  }
0x60: {  	_ =	shalt  }
0x61: {  	_ =	shalt  }
0x62: {  	_ =	shalt  }
0x63: {  	_ =	shalt  }
0x64: {  	_ =	shalt  }
0x65: {  	_ =	shalt  }
0x66: {  	_ =	shalt  }
0x67: {  	_ =	shalt  }
0x68: {  	_ =	shalt  }
0x69: {  	_ =	shalt  }
0x6a: {  	_ =	shalt  }
0x6b: {  	_ =	shalt  }
0x6c: {  	_ =	shalt  }
0x6d: {  	_ =	shalt  }
0x6e: {  	_ =	shalt  }
0x6f: {  	_ =	shalt  }
0x70: {  	_ =	shalt  }
0x71: {  	_ =	shalt  }
0x72: {  	_ =	shalt  }
0x73: {  	_ =	shalt  }
0x74: {  	_ =	shalt  }
0x75: {  	_ =	shalt  }
0x76: {  	_ =	shalt  }
0x77: {  	_ =	shalt  }
0x78: {  	_ =	shalt  }
0x79: {  	_ =	shalt  }
0x7a: {  	_ =	shalt  }
0x7b: {  	_ =	shalt  }
0x7c: {  	_ =	shalt  }
0x7d: {  	_ =	shalt  }
0x7e: {  	_ =	shalt  }
0x7f: {  	_ =	shalt  }
0x80: {  	_ =	shalt  }
0x81: {  	_ =	shalt  }
0x82: {  	_ =	shalt  }
0x83: {  	_ =	shalt  }
0x84: {  	_ =	shalt  }
0x85: {  	_ =	shalt  }
0x86: {  	_ =	shalt  }
0x87: {  	_ =	shalt  }
.Lfunc_end0:
.L_simem_size_0:
called_computation.1_lowered:
.L_overlay_start_0:
0x88: {  	s2 =	sld [smem:$0x3FD9]  }
0x89: {  	s3 =	sld [smem:$0x3FFE];
	_ =	sdelay $0x1  }
0x8a: {  	s1 =	srdreg.scid  }
0x8b: {  	s0 =	sand.u32 $0x1, s1  }
0x8c: {  	s15 =	sshll.u32 s0, $0xA;
	s2 =	sadd.s32 s3, s2  }
0x8d: {  	s2 =	sadd.s32 s2, s15  }
0x8e: {  	[smem:$0x3FBC] =	sst s2  }
0x8f: {  	_ = 	snop  }
0x90: {  	s2 =	sld [smem:$0x3FD0];
	_ =	sdelay $0x1  }
0x91: {  	s16 =	sld [smem:$0x3FC9]  }
0x92: {  	s5 =	simm.s32 $0xA;
	s6 =	simm.s32 $0x10;
	s4 =	sld [smem:$0x3FC8]  }
0x93: {  	[smem:s6], [sflag:s5] =	dma.local [hbm:s2], $0x1  }
0x94: {  	_ =	swait.eq [sflag:s5], $0x1  }
0x95: {  	[sflag:s5] =	ssyncset.done $0x0  }
0x96: {  	[sflag:s5] =	ssyncadd.s32 $0xFFFFFFFF  }
0x97: {  	s17 =	sld [smem:$0x10];
	(tm) =	ssettm $0x1  }
0x98: {  	s18 =	sld [smem:$0x3FFB];
	_ =	sdelay $0x3  }
0x99: {  	_ =	strace s18  }
0x9a: {  	s5 =	sld [smem:$0x3FFC];
	_ =	sdelay $0x3  }
0x9b: {  	_ =	strace s5  }
0x9c: {  	s5 =	sld [smem:$0x3FFD];
	_ =	sdelay $0x3  }
0x9d: {  	_ =	strace s5  }
0x9e: {  	_ =	strace $0x8FFFFFFF  }
0x9f: {  	s19 =	sld [smem:$0x3FDB];
	_ =	sdelay $0x1  }
0xa0: {  	s20 =	simm.s32 $_scs_section_size  }
0xa1: {  	s7 =	simm.s32 $_size__tile_overlayer_lowered;
	s8 =	simm.s32 $_tile_overlayer_lowered  }
0xa2: {  	s23 =	simm.s32 $0x1BFF;
	s22 =	sshll.u32 s8, $0x1;
	s5 =	sadd.s32 s20, s19  }
0xa3: {  	s9 =	simm.s32 $0x0;
	s21 =	sshll.u32 s7, $0x1;
	s7 =	sadd.s32 s22, s5  }
0xa4: {  	[timem:s9], [sflag:s23] =	dma.local [hbm:s7], s21  }
0xa5: {  	_ =	swait.ge [sflag:s23], s21  }
0xa6: {  	s6 =	ssub.s32 $0x0, s21;
	[sflag:s23] =	ssyncset.done $0x0  }
0xa7: {  	[sflag:s23] =	ssyncadd.s32 s6;
	_ =	sdelay $0x1  }
0xa8: {  	s24 =	simm.s32 $0x1B8B  }
0xa9: {  	_ =	swait.ge [sflag:s24], $0x1  }
0xaa: {  	[sflag:s24] =	ssyncset.done $0x0  }
0xab: {  	s25 =	simm.s32 $0x1B8E;
	[sflag:s24] =	ssyncadd.s32 $0xFFFFFFFF  }
0xac: {  	s26 =	simm.s32 $execute0_lowered;
	[smem:$0x3FD2] =	sst s25  }
0xad: {  	s6 =	sshll.u32 s26, $0x1;
	_ =	strace $0x80000046;
	[dreg:$0x1] =	wrdreg $0xFFFFFFFF  }
0xae: {  	s28 =	simm.s32 $_size_execute0_lowered;
	s5 =	sadd.s32 s5, s6;
	[dreg:$0x0] =	wrdreg $0x0  }
0xaf: {  	s6 =	sshll.u32 s28, $0x1;
	[dreg:$0x2] =	wrdreg s5  }
0xb0: {  	[dreg:$0x3] =	wrdreg s6  }
0xb1: {  	[dreg:$0x4] =	wrdreg $0xC0  }
0xb2: {  	_ =	task [dreg:s9], $0x5FFFF  }
0xb3: {  	[dreg:$0x1] =	wrdreg $0xFFFFFFFF  }
0xb4: {  	[dreg:$0x0] =	wrdreg $0x60  }
0xb5: {  	[dreg:$0x2] =	wrdreg s4  }
0xb6: {  	[dreg:$0x3] =	wrdreg s16  }
0xb7: {  	[dreg:$0x4] =	wrdreg s17  }
0xb8: {  	[dreg:$0x5] =	wrdreg $0x9  }
0xb9: {  	_ =	task.clear_ibuf [dreg:s9], $0x6FFFF;
	_ =	strace $0x90000046  }
0xba: {  	s29 =	simm.s32 $0x9;
	_ =	strace $0x80000048  }
0xbb: {  	_ =	swait.ge [sflag:s29], $0x1  }
0xbc: {  	[sflag:s29] =	ssyncadd.s32 $0xFFFFFFFF  }
0xbd: {  	_ =	strace $0x90000048  }
0xbe: {  	_ =	sfence  }
0xbf: {  	s30 =	sld [smem:$0x0];
	_ =	sdelay $0x2  }
0xc0: {  	s31 =	sshll.u32 s1, $0xD;
	s1 =	sshrl.u32 s1, $0x2  }
0xc1: {  	s3 =	sand.u32 $0x4000, s31;
	s1 =	sadd.s32 s1, s30  }
0xc2: {  	s0 =	sor.u32 s3, s0;
	s1 =	sshll.u32 s1, $0x11  }
0xc3: {  	s0 =	sor.u32 s1, s0  }
0xc4: {  	s0 =	sadd.s32 $0x8F2B, s0  }
0xc5: {  	[sflag:s0] =	ssyncadd.remote.s32 $0x1  }
0xc6: {  	_ =	sfence.sel $0xFFFF  }
0xc7: {  	[dreg:$0x0] =	wrdreg $0xFFFFFFFF;
	(pc) =	sbr.abs _section_cstart, $3  }
0xc8: {  	[dreg:$0x1] =	wrdreg $0xFFFFFFFF  }
0xc9: {  	_ =	task.clear_ibuf [dreg:s9], $0x2FFFF;
	_ =	strace $0x9FFFFFFF  }
0xca: {  	(tm) =	ssettm $0x7FFFFFFF  }
0xcb: {  	_ =	shalt  }
tec
execute0_lowered:
.L_overlay_start_1:
0x0: {  	(tag) =	ssettag $0x1  }
0x1: {  	s2 =	rddreg [dreg:$0x0]  }
0x2: {  	s0 =	rddreg [dreg:$0x1];
	s3 =	srdreg.scid  }
0x3: {  	s5 =	rddreg [dreg:$0x2];
	s1 =	stileid.u32  }
0x4: {  	s26 =	simm.s32 $0x880;
	s9 =	simm.s32 $0x1080;
	s10 =	simm.s32 $0x1880  }
0x5: {  	s11 =	simm.s32 $0x2080;
	s12 =	simm.s32 $0x2880;
	s13 =	simm.s32 $0x3080  }
0x6: {  	s14 =	simm.s32 $0x3880;
	s15 =	simm.s32 $0x4080;
	s16 =	simm.s32 $0x4880  }
0x7: {  	s17 =	simm.s32 $0x5080;
	s18 =	simm.s32 $0x5880;
	s19 =	simm.s32 $0x6080  }
0x8: {  	s20 =	simm.s32 $0x6880;
	s21 =	simm.s32 $0x7080;
	s22 =	simm.s32 $0x7880  }
0x9: {  	s23 =	simm.s32 $0x8080;
	s28 =	simm.s32 $0xA080;
	s29 =	simm.s32 $0xA880  }
0xa: {  	s30 =	simm.s32 $0xB080;
	s31 =	simm.s32 $0xB880;
	s4 =	sand.u32 $0x1, s3  }
0xb: {  	s6 =	sshll.u32 s1, $0x4;
	s3 =	simm.s32 $0x0;
	s7 =	sshll.u32 s4, $0x3  }
0xc: {  	s4 =	ssub.s32 $0x2, s4;
	[smem:$0x7FF] =	sst s3;
	s6 =	sor.u32 s7, s6  }
0xd: {  	s24 =	sshrl.u32 s4, $0x1;
	_ =	strace $0x80000047;
	[dreg:$0x6] =	wrdreg s26  }
0xe: {  	s26 =	simm.s32 $0x9880;
	s8 =	smul.u32 $0x300, s6;
	s7 =	ssub.s32 s4, s24  }
0xf: {  	s0 =	sadd.s32 s0, s6;
	s4 =	sadd.s32 $0x100, s2;
	s24 =	simm.s32 $0x8880  }
0x10: {  	v2 =	vlaneseq.u32;
	[dreg:$0x4] =	wrdreg s0;
	s6 =	smax.u32 s7, $0x1;
	s7 =	simm.s32 $0x2  }
0x11: {  	vm0 =	vmmov $0xffff;
	v1 =	vshrl.u32 v2, $0x3;
	s0 =	simm.s32 $0x1;
	s25 =	sadd.s32 s5, s8;
	s5 =	sadd.s32 $0x200, s2  }
0x12: {  	v0 =	vand.u32 $0x7, v2;
	v2 =	vor.u32 $0x8, v2;
	v1 =	vmul.u32 $0x8, v1;
	s8 =	simm.s32 $0x80;
	[dreg:$0x5] =	wrdreg s25;
	s25 =	simm.s32 $0x9080  }
.LBB2_1:
0x13: {  	s1 =	rddreg [dreg:$0x4]  }
0x14: {  	[tilespmem:s3], [sflag:$0x2] =	stream.linear.gather [hbm4b:s1+s3], $0x40, $0x38;
	[tilespmem:$0xC080] =	vst v63  }
0x15: {  	_ =	swait.ge [sflag:s7], $0x40  }
0x16: {  	[sflag:s7] =	ssyncset.done $0x0  }
0x17: {  	[sflag:s7] =	ssyncadd.s32 $0xFFFFFFC0  }
0x18: {  	v3 =	vld [tilespmem:$0x0];
	_ =	sdelay $0x4  }
0x19: {  	v4 =	vshrl.u32 v3, $0x3  }
0x1a: {  	v4 =	vmul.u32 $0x30, v4  }
0x1b: {  	v3 =	vand.u32 $0x7, v3  }
0x1c: {  	v3 =	vor.u32 v3, v4  }
0x1d: {  	v4 =	vperm.xlane v3, v0;
	_ =	sdelay $0x1  }
0x1e: {  	v4 =	vadd.s32 v1, v4;
	_ =	sdelay $0x3  }
0x1f: {  	v3 =	vperm.xlane v3, v2  }
0x20: {  	[tilespmem:s8], [sflag:$0x1] =	stream.indirect_vreg.gather [hbm4b:s2+s3], $0x80, v4, vm0, $0xb8;
	[tilespmem:$0xC080] =	vst v63  }
0x21: {  	s1 =	rddreg [dreg:$0x6];
	v3 =	vadd.s32 v1, v3  }
0x22: {  	[tilespmem:s1], [sflag:$0x1] =	stream.indirect_vreg.gather [hbm4b:s4+s3], $0x80, v4, vm0, $0xb8;
	[tilespmem:$0xC080] =	vst v63  }
0x23: {  	_ = 	snop  }
0x24: {  	[tilespmem:s9], [sflag:$0x1] =	stream.indirect_vreg.gather [hbm4b:s5+s3], $0x80, v4, vm0, $0xb8;
	[tilespmem:$0xC080] =	vst v63  }
0x25: {  	_ = 	snop  }
0x26: {  	[tilespmem:s10], [sflag:$0x1] =	stream.indirect_vreg.gather [hbm4b:s2+s3], $0x80, v3, vm0, $0xb8;
	[tilespmem:$0xC080] =	vst v63  }
0x27: {  	_ = 	snop  }
0x28: {  	[tilespmem:s11], [sflag:$0x1] =	stream.indirect_vreg.gather [hbm4b:s4+s3], $0x80, v3, vm0, $0xb8;
	[tilespmem:$0xC080] =	vst v63  }
0x29: {  	_ = 	snop  }
0x2a: {  	[tilespmem:s12], [sflag:$0x1] =	stream.indirect_vreg.gather [hbm4b:s5+s3], $0x80, v3, vm0, $0xb8;
	[tilespmem:$0xC080] =	vst v63  }
0x2b: {  	v3 =	vld [tilespmem:$0x10];
	_ =	sdelay $0x4  }
0x2c: {  	v61 =	vshrl.u32 v3, $0x3  }
0x2d: {  	v4 =	vmul.u32 $0x30, v61  }
0x2e: {  	v3 =	vand.u32 $0x7, v3  }
0x2f: {  	v3 =	vor.u32 v3, v4  }
0x30: {  	v4 =	vperm.xlane v3, v0;
	_ =	sdelay $0x1  }
0x31: {  	v4 =	vadd.s32 v1, v4;
	_ =	sdelay $0x3  }
0x32: {  	v3 =	vperm.xlane v3, v2  }
0x33: {  	[tilespmem:s13], [sflag:$0x1] =	stream.indirect_vreg.gather [hbm4b:s2+s3], $0x80, v4, vm0, $0xb8;
	[tilespmem:$0xC080] =	vst v63  }
0x34: {  	v3 =	vadd.s32 v1, v3  }
0x35: {  	[tilespmem:s14], [sflag:$0x1] =	stream.indirect_vreg.gather [hbm4b:s4+s3], $0x80, v4, vm0, $0xb8;
	[tilespmem:$0xC080] =	vst v63  }
0x36: {  	_ = 	snop  }
0x37: {  	[tilespmem:s15], [sflag:$0x1] =	stream.indirect_vreg.gather [hbm4b:s5+s3], $0x80, v4, vm0, $0xb8;
	[tilespmem:$0xC080] =	vst v63  }
0x38: {  	_ = 	snop  }
0x39: {  	[tilespmem:s16], [sflag:$0x1] =	stream.indirect_vreg.gather [hbm4b:s2+s3], $0x80, v3, vm0, $0xb8;
	[tilespmem:$0xC080] =	vst v63  }
0x3a: {  	_ = 	snop  }
0x3b: {  	[tilespmem:s17], [sflag:$0x1] =	stream.indirect_vreg.gather [hbm4b:s4+s3], $0x80, v3, vm0, $0xb8;
	[tilespmem:$0xC080] =	vst v63  }
0x3c: {  	_ = 	snop  }
0x3d: {  	[tilespmem:s18], [sflag:$0x1] =	stream.indirect_vreg.gather [hbm4b:s5+s3], $0x80, v3, vm0, $0xb8;
	[tilespmem:$0xC080] =	vst v63  }
0x3e: {  	v3 =	vld [tilespmem:$0x20];
	_ =	sdelay $0x4  }
0x3f: {  	v62 =	vshrl.u32 v3, $0x3  }
0x40: {  	v4 =	vmul.u32 $0x30, v62  }
0x41: {  	v3 =	vand.u32 $0x7, v3  }
0x42: {  	v3 =	vor.u32 v3, v4  }
0x43: {  	v4 =	vperm.xlane v3, v0;
	_ =	sdelay $0x1  }
0x44: {  	v4 =	vadd.s32 v1, v4;
	_ =	sdelay $0x3  }
0x45: {  	v3 =	vperm.xlane v3, v2  }
0x46: {  	[tilespmem:s19], [sflag:$0x1] =	stream.indirect_vreg.gather [hbm4b:s2+s3], $0x80, v4, vm0, $0xb8;
	[tilespmem:$0xC080] =	vst v63  }
0x47: {  	v3 =	vadd.s32 v1, v3  }
0x48: {  	[tilespmem:s20], [sflag:$0x1] =	stream.indirect_vreg.gather [hbm4b:s4+s3], $0x80, v4, vm0, $0xb8;
	[tilespmem:$0xC080] =	vst v63  }
0x49: {  	_ = 	snop  }
0x4a: {  	[tilespmem:s21], [sflag:$0x1] =	stream.indirect_vreg.gather [hbm4b:s5+s3], $0x80, v4, vm0, $0xb8;
	[tilespmem:$0xC080] =	vst v63  }
0x4b: {  	_ = 	snop  }
0x4c: {  	[tilespmem:s22], [sflag:$0x1] =	stream.indirect_vreg.gather [hbm4b:s2+s3], $0x80, v3, vm0, $0xb8;
	[tilespmem:$0xC080] =	vst v63  }
0x4d: {  	_ = 	snop  }
0x4e: {  	[tilespmem:s23], [sflag:$0x1] =	stream.indirect_vreg.gather [hbm4b:s4+s3], $0x80, v3, vm0, $0xb8;
	[tilespmem:$0xC080] =	vst v63  }
0x4f: {  	_ = 	snop  }
0x50: {  	[tilespmem:s24], [sflag:$0x1] =	stream.indirect_vreg.gather [hbm4b:s5+s3], $0x80, v3, vm0, $0xb8;
	[tilespmem:$0xC080] =	vst v63  }
0x51: {  	v3 =	vld [tilespmem:$0x30];
	_ =	sdelay $0x4  }
0x52: {  	v63 =	vshrl.u32 v3, $0x3  }
0x53: {  	v4 =	vmul.u32 $0x30, v63  }
0x54: {  	v3 =	vand.u32 $0x7, v3  }
0x55: {  	v3 =	vor.u32 v3, v4  }
0x56: {  	v4 =	vperm.xlane v3, v0;
	_ =	sdelay $0x1  }
0x57: {  	v4 =	vadd.s32 v1, v4;
	_ =	sdelay $0x3  }
0x58: {  	v3 =	vperm.xlane v3, v2  }
0x59: {  	[tilespmem:s25], [sflag:$0x1] =	stream.indirect_vreg.gather [hbm4b:s2+s3], $0x80, v4, vm0, $0xb8;
	[tilespmem:$0xC080] =	vst v63  }
0x5a: {  	v3 =	vadd.s32 v1, v3  }
0x5b: {  	[tilespmem:s26], [sflag:$0x1] =	stream.indirect_vreg.gather [hbm4b:s4+s3], $0x80, v4, vm0, $0xb8;
	[tilespmem:$0xC080] =	vst v63  }
0x5c: {  	_ = 	snop  }
0x5d: {  	[tilespmem:s28], [sflag:$0x1] =	stream.indirect_vreg.gather [hbm4b:s5+s3], $0x80, v4, vm0, $0xb8;
	[tilespmem:$0xC080] =	vst v63  }
0x5e: {  	_ = 	snop  }
0x5f: {  	[tilespmem:s29], [sflag:$0x1] =	stream.indirect_vreg.gather [hbm4b:s2+s3], $0x80, v3, vm0, $0xb8;
	[tilespmem:$0xC080] =	vst v63  }
0x60: {  	_ = 	snop  }
0x61: {  	[tilespmem:s30], [sflag:$0x1] =	stream.indirect_vreg.gather [hbm4b:s4+s3], $0x80, v3, vm0, $0xb8;
	[tilespmem:$0xC080] =	vst v63  }
0x62: {  	_ = 	snop  }
0x63: {  	[tilespmem:s31], [sflag:$0x1] =	stream.indirect_vreg.gather [hbm4b:s5+s3], $0x80, v3, vm0, $0xb8;
	[tilespmem:$0xC080] =	vst v63  }
0x64: {  	_ =	swait.ge [sflag:s0], $0xC000  }
0x65: {  	p0 =	sne.s32 s6, $0x1;
	[sflag:s0] =	ssyncset.done $0x0  }
.Ltmp0:
0x66: {  	s1 =	rddreg [dreg:$0x5];
	[sflag:s0] =	ssyncadd.s32 $0xFFFF4000;
	(pc) =	sbr.rel @p0 .LBB2_1-.Ltmp0, $4  }
0x67: {  	[hbm4b:s1+s3] =	stream.linear.scatter [tilespmem:s8], [sflag:$0x2], $0xC000, $0x38;
	[tilespmem:$0xC080] =	vst v63  }
0x68: {  	_ =	swait.ge [sflag:s7], $0xC000  }
0x69: {  	[sflag:s7] =	ssyncset.done $0x0  }
0x6a: {  	s6 =	sadd.s32 $0xFFFFFFFF, s6;
	[sflag:s7] =	ssyncadd.s32 $0xFFFF4000  }
0x6b: {  	_ =	sfence.sel $0x180000  }
0x6c: {  	[bflag:$0x0] =	sbarrier.arrive $0xFFFF  }
0x6d: {  	_ =	strace $0x90000047  }
0x6e: {  	s0 =	stileid.u32;
	[bflag:$0x2] =	sbarrier.arrive $0xFFFF  }
0x6f: {  	p0 =	sne.s32 s0, $0x0;
	s0 =	rddreg [dreg:$0x3]  }
0x70: {  	s0 =	sadd.s32 @!p0 $0x100000, s0  }
0x71: {  	[sflag:s0] =	ssyncadd.tile.s32 @!p0 $0x1;
	_ =	shalt  }
.Lfunc_end2:
_tile_overlayer_lowered:
.L_overlay_start_2:
0x72: {  	(tag) =	ssettag $0x2  }
0x73: {  	s0 =	rddreg [dreg:$0x0];
	s2 =	stileid.u32  }
0x74: {  	s1 =	rddreg [dreg:$0x1];
	p0 =	sne.s32 s2, $0x0  }
0x75: {  	s3 =	rddreg [dreg:$0x2];
	[bflag:$0x3] =	sbarrier.arrive $0xFFFF;
	s2 =	simm.s32 @!p0 $0x1C02  }
0x76: {  	[timem:s3], [sflag:s2] =	dma.local @!p0 [hbm:s0], s1  }
0x77: {  	s0 =	simm.s32 @!p0 $0x2  }
0x78: {  	_ =	swait.ge @!p0 [sflag:s0], s1  }
0x79: {  	s1 =	ssub.s32 @!p0 $0x0, s1;
	[sflag:s0] =	ssyncset.done @!p0 $0x0  }
0x7a: {  	[sflag:s0] =	ssyncadd.s32 @!p0 s1  }
0x7b: {  	[bflag:$0x3] =	sbarrier.arrive $0xFFFF  }
0x7c: {  	_ =	shalt  }

// kernel: sparse-core-data-format-call.cloned.1.call-start
scs
called_computation_lowered:
.L_overlay_start_0:
0x0: {  	s2 =	sld [smem:$0x3FD9]  }
0x1: {  	s3 =	sld [smem:$0x3FFE];
	_ =	sdelay $0x1  }
0x2: {  	s1 =	srdreg.scid  }
0x3: {  	s0 =	sand.u32 $0x1, s1  }
0x4: {  	s15 =	sshll.u32 s0, $0xA;
	s2 =	sadd.s32 s3, s2  }
0x5: {  	s2 =	sadd.s32 s2, s15  }
0x6: {  	[smem:$0x3FBC] =	sst s2  }
0x7: {  	_ = 	snop  }
0x8: {  	s2 =	sld [smem:$0x3FD0];
	_ =	sdelay $0x2  }
0x9: {  	s16 =	simm.s32 $0xA;
	s4 =	simm.s32 $0x10  }
0xa: {  	[smem:s4], [sflag:s16] =	dma.local [hbm:s2], $0x1  }
0xb: {  	_ =	swait.eq [sflag:s16], $0x1  }
0xc: {  	[sflag:s16] =	ssyncset.done $0x0  }
0xd: {  	[sflag:s16] =	ssyncadd.s32 $0xFFFFFFFF  }
0xe: {  	s17 =	sld [smem:$0x10];
	(tm) =	ssettm $0x1  }
0xf: {  	s18 =	sld [smem:$0x3FFB];
	_ =	sdelay $0x3  }
0x10: {  	_ =	strace s18  }
0x11: {  	s3 =	sld [smem:$0x3FFC];
	_ =	sdelay $0x3  }
0x12: {  	_ =	strace s3  }
0x13: {  	s3 =	sld [smem:$0x3FFD];
	_ =	sdelay $0x3  }
0x14: {  	_ =	strace s3  }
0x15: {  	_ =	strace $0x8FFFFFFF  }
0x16: {  	s19 =	sld [smem:$0x3FDB];
	_ =	sdelay $0x1  }
0x17: {  	s20 =	simm.s32 $_scs_section_size  }
0x18: {  	s5 =	simm.s32 $_size__tile_overlayer_lowered;
	s6 =	simm.s32 $_tile_overlayer_lowered  }
0x19: {  	s23 =	simm.s32 $0x1BFF;
	s22 =	sshll.u32 s6, $0x1;
	s3 =	sadd.s32 s20, s19  }
0x1a: {  	s7 =	simm.s32 $0x0;
	s21 =	sshll.u32 s5, $0x1;
	s5 =	sadd.s32 s22, s3  }
0x1b: {  	[timem:s7], [sflag:s23] =	dma.local [hbm:s5], s21  }
0x1c: {  	_ =	swait.ge [sflag:s23], s21  }
0x1d: {  	s4 =	ssub.s32 $0x0, s21;
	[sflag:s23] =	ssyncset.done $0x0  }
0x1e: {  	[sflag:s23] =	ssyncadd.s32 s4;
	_ =	sdelay $0x1  }
0x1f: {  	s24 =	simm.s32 $0x1B8B  }
0x20: {  	_ =	swait.ge [sflag:s24], $0x1  }
0x21: {  	[sflag:s24] =	ssyncset.done $0x0  }
0x22: {  	s26 =	simm.s32 $0x1B8E;
	s25 =	sld [smem:$0x3FFE];
	[sflag:s24] =	ssyncadd.s32 $0xFFFFFFFF  }
0x23: {  	s27 =	simm.s32 $execute0_lowered;
	[smem:$0x3FD2] =	sst s26  }
0x24: {  	s5 =	sshll.u32 s27, $0x1;
	_ =	strace $0x80000049;
	[dreg:$0x1] =	wrdreg $0xFFFFFFFF  }
0x25: {  	s28 =	simm.s32 $_size_execute0_lowered;
	s3 =	sadd.s32 s3, s5;
	[dreg:$0x0] =	wrdreg $0x0  }
0x26: {  	s5 =	sshll.u32 s28, $0x1;
	[dreg:$0x2] =	wrdreg s3  }
0x27: {  	[dreg:$0x3] =	wrdreg s5  }
0x28: {  	[dreg:$0x4] =	wrdreg $0xC0  }
0x29: {  	_ =	task [dreg:s7], $0x5FFFF  }
0x2a: {  	[dreg:$0x1] =	wrdreg $0xFFFFFFFF  }
0x2b: {  	[dreg:$0x0] =	wrdreg $0x60  }
0x2c: {  	[dreg:$0x2] =	wrdreg s25  }
0x2d: {  	[dreg:$0x3] =	wrdreg s17  }
0x2e: {  	[dreg:$0x4] =	wrdreg $0x9  }
0x2f: {  	_ =	task.clear_ibuf [dreg:s7], $0x5FFFF;
	_ =	strace $0x90000049  }
0x30: {  	s29 =	simm.s32 $0x9;
	_ =	strace $0x8000004B  }
0x31: {  	_ =	swait.ge [sflag:s29], $0x1  }
0x32: {  	[sflag:s29] =	ssyncadd.s32 $0xFFFFFFFF  }
0x33: {  	_ =	strace $0x9000004B  }
0x34: {  	_ =	sfence  }
0x35: {  	s30 =	sld [smem:$0x0];
	_ =	sdelay $0x2  }
0x36: {  	s31 =	sshll.u32 s1, $0xD;
	s1 =	sshrl.u32 s1, $0x2  }
0x37: {  	s3 =	sand.u32 $0x4000, s31;
	s1 =	sadd.s32 s1, s30  }
0x38: {  	s0 =	sor.u32 s3, s0;
	s1 =	sshll.u32 s1, $0x11  }
0x39: {  	s0 =	sor.u32 s1, s0  }
0x3a: {  	s0 =	sadd.s32 $0x8F2B, s0  }
0x3b: {  	[sflag:s0] =	ssyncadd.remote.s32 $0x1  }
0x3c: {  	_ =	sfence.sel $0xFFFF  }
0x3d: {  	[dreg:$0x0] =	wrdreg $0xFFFFFFFF;
	(pc) =	sbr.abs _section_cstart, $3  }
0x3e: {  	[dreg:$0x1] =	wrdreg $0xFFFFFFFF  }
0x3f: {  	_ =	task.clear_ibuf [dreg:s7], $0x2FFFF;
	_ =	strace $0x9FFFFFFF  }
0x40: {  	(tm) =	ssettm $0x7FFFFFFF  }
0x41: {  	_ =	shalt  }
tec
execute0_lowered:
.L_overlay_start_1:
0x0: {  	(tag) =	ssettag $0x1  }
0x1: {  	s4 =	rddreg [dreg:$0x0]  }
0x2: {  	s0 =	stileid.u32;
	s3 =	rddreg [dreg:$0x1]  }
0x3: {  	s1 =	rddreg [dreg:$0x2];
	_ =	strace $0x8000004A;
	s7 =	srdreg.scid  }
0x4: {  	s8 =	simm.s32 $0x2;
	s16 =	simm.s32 $0x0;
	s2 =	sshll.u32 s0, $0x7  }
0x5: {  	s9 =	simm.s32 $0x4000;
	s15 =	simm.s32 $0x0;
	s5 =	ssub.s32 $0x800, s2  }
0x6: {  	s10 =	simm.s32 $0x0;
	s11 =	simm.s32 $0x0;
	s6 =	sand.u32 $0x780, s5  }
0x7: {  	s14 =	simm.s32 $0x0;
	p0 =	sne.s32 s6, $0x0;
	s6 =	simm.s32 $0x1  }
.Ltmp0:
0x8: {  	s5 =	sshrl.u32 s5, $0xB;
	s6 =	simm.s32 @!p0 $0x0;
	(pc) =	sbr.rel .LBB1_1-.Ltmp0, $4  }
0x9: {  	s4 =	sadd.s32 $0x1C00, s4;
	s7 =	sshll.u32 s7, $0x7;
	s6 =	sadd.s32 s6, s5  }
0xa: {  	s7 =	sand.u32 $0x80, s7;
	s5 =	simm.s32 $0x1;
	s6 =	smul.u32 $0x187, s6  }
0xb: {  	s13 =	smov.u32 s2;
	s12 =	smov.u32 s7;
	[sflag:s5] =	ssyncpa.u1 $0x0  }
0xc: {  	p0 =	por $0x0, $0x0;
	[sflag:s8] =	ssyncpa.u1 $0x0;
	s8 =	sadd.s32 $0x1, s6  }
.LBB1_4:
0xd: {  	s21 =	sshra.s32 s21, $0x2;
	s26 =	sshll.u32 s10, $0xB  }
0xe: {  	s22 =	sand.u32 $0x78, s11;
	s23 =	sshll.u32 s11, $0x3;
	s25 =	sshll.u32 s10, $0x7  }
0xf: {  	p1 =	sgt.s32 s10, $0x18620;
	s29 =	sshra.s32 s10, $0x1F;
	s20 =	sadd.s32 s21, s20  }
0x10: {  	s21 =	sand.u32 $0xFFFFC000, s26;
	s24 =	sand.u32 $0xFFFFFC00, s23;
	s23 =	sand.u32 $0x400, s23  }
0x11: {  	v5 =	vld [tilespmem:s18+$0xFFFFFFD0];
	[tilespmem:s19+$0x2040 ss:$0x81] =	vst.msk $0xffff, v4;
	s27 =	sand.u32 $0x380, s25;
	s30 =	sand.u32 s29, s10;
	s25 =	smov.u32 s11  }
0x12: {  	v58 =	vld [tilespmem:s18+$0xFFFFFFE0];
	[tilespmem:s19+$0x2850 ss:$0x81] =	vst.msk $0xffff, v3;
	s26 =	sshra.s32 s11, $0x1F;
	s21 =	sadd.s32 s24, s21;
	s22 =	sor.u32 s22, s23  }
0x13: {  	v59 =	vld [tilespmem:s18+$0xFFFFFFF0];
	[tilespmem:s19+$0x3060 ss:$0x81] =	vst.msk $0xffff, v2;
	s23 =	smov.u32 s10;
	s31 =	sand.u32 s26, s11;
	s22 =	sor.u32 s27, s22  }
0x14: {  	v60 =	vld [tilespmem:s18+$0x0];
	[tilespmem:s19+$0x0 ss:$0x81] =	vst.msk $0xffff, v1;
	s21 =	sshrl.u32 s21, $0xB;
	s23 =	simm.s32 @!p1 $0x18620;
	p1 =	sgt.s32 s11, $0x780  }
0x15: {  	v61 =	vld [tilespmem:s18+$0x10];
	[tilespmem:s20+$0x3870 ss:$0x81] =	vst.msk $0xffff, v0;
	s28 =	smulhi.u32 $0xA7C5B, s21;
	s19 =	ssub.s32 s23, s30;
	s25 =	simm.s32 @!p1 $0x780  }
0x16: {  	v62 =	vld [tilespmem:s18+$0x20];
	[tilespmem:s20+$0x810 ss:$0x81] =	vst.msk $0xffff, v5;
	s23 =	ssub.s32 s25, s31;
	s26 =	sadd.s32 $0xFFFE79E0, s19;
	s19 =	ssub.s32 $0x186A0, s19  }
0x17: {  	v63 =	vld [tilespmem:s18+$0xFFFFFFC0];
	[tilespmem:s20+$0x1020 ss:$0x81] =	vst.msk $0xffff, v58;
	s24 =	sshrl.u32 s28, $0x4;
	p1 =	sgt.s32 s26, $0x7F;
	s28 =	sadd.s32 $0xFFFFF880, s23  }
0x18: {  	[tilespmem:s20+$0x1830 ss:$0x81] =	vst.msk $0xffff, v59;
	s23 =	ssub.s32 $0x800, s23;
	s27 =	smul.u32 $0x186A0, s24;
	p2 =	sgt.s32 s28, $0x7F  }
0x19: {  	s29 =	sshrl.u32 s22, $0x3;
	[tilespmem:s20+$0x2040 ss:$0x81] =	vst.msk $0xffff, v60;
	s19 =	simm.s32 @p1 $0x0;
	s23 =	simm.s32 @p2 $0x0  }
0x1a: {  	s30 =	sand.u32 $0x7, s11;
	[tilespmem:s20+$0x2850 ss:$0x81] =	vst.msk $0xffff, v61;
	s18 =	ssub.s32 s21, s27;
	s19 =	smul.u32 s23, s19  }
0x1b: {  	[tilespmem:s20+$0x3060 ss:$0x81] =	vst.msk $0xffff, v62;
	s22 =	sshll.u32 s30, $0x12;
	s21 =	sadd.s32 s3, s29;
	s18 =	sshll.u32 s18, $0x8  }
0x1c: {  	[tilespmem:s20+$0x0 ss:$0x81] =	vst.msk $0xffff, v63;
	s31 =	sor.u32 $0x400, s22;
	s19 =	sand.u32 $0x3FFFFFFF, s19;
	s18 =	sadd.s32 s18, s21  }
0x1d: {  	[hbm4b:s18+s31] =	stream.strided.scatter [tilespmem:s17], [sflag:$0x2], s19, s9, s31, $0x20;
	[tilespmem:$0x10100] =	vst v63  }
.LBB1_5:
0x1e: {  	p1 =	slt.u32 s14, $0x2  }
0x1f: {  	s18 =	smov.u32 s16;
	p2 =	sgt.s32 @!p1 s16, $0x18620;
	s17 =	sshra.s32 @!p1 s16, $0x1F  }
0x20: {  	p3 =	sgt.s32 @!p1 s15, $0x780;
	s19 =	sshra.s32 @!p1 s15, $0x1F;
	p2 =	por !p2, p1  }
0x21: {  	s16 =	sand.u32 @!p1 s17, s16;
	p3 =	por !p3, p1;
	s17 =	smov.u32 s15  }
0x22: {  	s15 =	sand.u32 @!p1 s19, s15;
	s18 =	simm.s32 @p2 $0x18620;
	s17 =	simm.s32 @p3 $0x780  }
0x23: {  	s16 =	ssub.s32 @!p1 s18, s16;
	s15 =	ssub.s32 @!p1 s17, s15  }
0x24: {  	s19 =	smov.u32 s13;
	s17 =	sadd.s32 @!p1 $0xFFFE79E0, s16;
	s18 =	sadd.s32 @!p1 $0xFFFFF880, s15  }
0x25: {  	s16 =	ssub.s32 @!p1 $0x186A0, s16;
	p2 =	sgt.s32 @!p1 s17, $0x7F;
	p3 =	sgt.s32 @!p1 s18, $0x7F  }
0x26: {  	s15 =	ssub.s32 @!p1 $0x800, s15;
	p2 =	por !p2, p1;
	p3 =	por !p3, p1  }
0x27: {  	s17 =	sadd.s32 $0x100, s12;
	s16 =	simm.s32 @!p2 $0x0;
	s15 =	simm.s32 @!p3 $0x0  }
0x28: {  	p2 =	sgt.s32 s17, $0x1869F;
	s15 =	smul.u32 @!p1 s15, s16;
	s16 =	sadd.s32 $0x800, s13  }
0x29: {  	s19 =	smov.u32 @p2 s16  }
0x2a: {  	s17 =	smov.u32 @p2 s7;
	p2 =	sgt.s32 s19, $0x7FF  }
0x2b: {  	s19 =	smov.u32 @p2 s2;
	p2 =	sne.s32 s14, s8  }
.Ltmp1:
0x2c: {  	p0 =	por !p0, !p0;
	s18 =	simm.s32 @!p1 $0x2;
	(pc) =	sbr.rel @!p2 .LBB1_6-.Ltmp1, $4  }
0x2d: {  	s16 =	smov.u32 s10;
	s10 =	smov.u32 s12;
	s15 =	sand.u32 @!p1 $0x3FFFFFFF, s15  }
0x2e: {  	s12 =	smov.u32 s17;
	_ =	swait.ge @!p1 [sflag:s18], s15;
	s20 =	ssub.s32 @!p1 $0x0, s15  }
0x2f: {  	s15 =	smov.u32 s11;
	s14 =	sadd.s32 $0x1, s14;
	[sflag:s18] =	ssyncset.done @!p1 $0x0  }
0x30: {  	s11 =	smov.u32 s13;
	s13 =	smov.u32 s19;
	[sflag:s18] =	ssyncadd.s32 @!p1 s20  }
.LBB1_1:
0x31: {  	p1 =	sge.u32 s14, s6  }
0x32: {  	s17 =	sshrl.u32 @!p1 s13, $0x3  }
0x33: {  	s18 =	sshll.u32 @!p1 s12, $0x3;
	s17 =	smul.u32 @!p1 $0xC3800, s17  }
0x34: {  	s19 =	sshll.u32 @!p1 s13, $0x7;
	s18 =	sand.u32 @!p1 $0xFFFFFC00, s18  }
0x35: {  	s17 =	sadd.s32 @!p1 s17, s18;
	s18 =	sand.u32 @!p1 $0x380, s19  }
0x36: {  	s19 =	sand.u32 @!p1 $0x7F, s12;
	s17 =	sor.u32 @!p1 s18, s17  }
0x37: {  	s18 =	sor.u32 @!p1 s19, s17  }
0x38: {  	s19 =	smulhi.u32 @!p1 $0xA79C7B17, s18;
	_ =	sdelay $0x1  }
0x39: {  	s17 =	smulhi.u32 @!p1 $0xA79C7B17, s17;
	s19 =	sshrl.u32 @!p1 s19, $0x10  }
0x3a: {  	s19 =	smul.u32 @!p1 $0x18700, s19  }
0x3b: {  	s31 =	sadd.s32 $0xFFFFFFFF, s14;
	s20 =	sxor.u32 @!p1 $0xFFFFFFFF, s14;
	s17 =	sshrl.u32 @!p1 s17, $0x10  }
0x3c: {  	s20 =	sshll.u32 @!p1 s20, $0xE;
	s17 =	sand.u32 @!p1 $0x7FF, s17;
	s18 =	ssub.s32 @!p1 s18, s19  }
0x3d: {  	s17 =	smul.u32 @!p1 $0x30E0, s17;
	s19 =	sshrl.u32 @!p1 s18, $0x3;
	s18 =	sand.u32 @!p1 $0x7, s18  }
0x3e: {  	s20 =	sand.u32 @!p1 $0x4000, s20;
	s19 =	sadd.s32 @!p1 s4, s19;
	s18 =	sshll.u32 @!p1 s18, $0x12  }
0x3f: {  	s17 =	sadd.s32 @!p1 s17, s19;
	s18 =	sor.u32 @!p1 $0x400, s18;
	s19 =	simm.s32 @!p1 $0xC3800  }
0x40: {  	[tilespmem:s20], [sflag:$0x1] =	stream.strided.gather @!p1 [hbm4b:s17+s18], $0x4000, s19, s18, $0x38;
	[tilespmem:$0x10100] =	vst v63  }
0x41: {  	p1 =	sge.u32 s31, s6  }
.Ltmp2:
0x42: {  	_ = 	snop;
	(pc) =	sbr.rel @p1 .LBB1_5-.Ltmp2, $1  }
0x43: {  	_ =	sdelay $0x3  }
0x44: {  	s17 =	simm.s32 $0x1  }
0x45: {  	_ =	swait.ge [sflag:s5], $0x4000;
	s17 =	simm.s32 @!p0 $0x0  }
0x46: {  	[sflag:s5] =	ssyncset.done $0x0;
	s18 =	sshll.u32 s17, $0xE  }
0x47: {  	[sflag:s5] =	ssyncadd.s32 $0xFFFFC000;
	s18 =	sor.u32 $0x40, s18  }
0x48: {  	s17 =	smul.u32 $0x10200, s17;
	v0 =	vld [tilespmem:s18+$0x30]  }
0x49: {  	v1 =	vld [tilespmem:s18+$0xFFFFFFD0]  }
0x4a: {  	s17 =	sshrl.u32 s17, $0x2;
	v5 =	vld [tilespmem:s18+$0xFFFFFFE0]  }
0x4b: {  	v6 =	vld [tilespmem:s18+$0xFFFFFFF0];
	s20 =	sor.u32 $0x8000, s17  }
0x4c: {  	s31 =	sand.u32 $0x1, s14;
	v4 =	vld [tilespmem:s18+$0x0];
	s19 =	sadd.s32 $0x0, s20  }
0x4d: {  	v3 =	vld [tilespmem:s18+$0x10];
	s17 =	smul.u32 $0x10200, s31;
	[tilespmem:s19+$0x3870 ss:$0x81] =	vst.msk $0xffff, v0  }
0x4e: {  	v2 =	vld [tilespmem:s18+$0x20];
	[tilespmem:s19+$0x810 ss:$0x81] =	vst.msk $0xffff, v1  }
0x4f: {  	s17 =	sshrl.u32 s17, $0x2;
	v1 =	vld [tilespmem:s18+$0xFFFFFFC0];
	[tilespmem:s19+$0x1020 ss:$0x81] =	vst.msk $0xffff, v5;
	s18 =	sadd.s32 $0x80, s18  }
0x50: {  	s21 =	simm.s32 $0x4;
	s22 =	simm.s32 $0x8;
	s17 =	sor.u32 $0x8000, s17;
	[tilespmem:s19+$0x1830 ss:$0x81] =	vst.msk $0xffff, v6;
	v0 =	vld [tilespmem:s18+$0x30]  }
.LBB1_3:
0x51: {  	p1 =	sne.s32 s22, $0x1FC;
	v5 =	vld [tilespmem:s18+$0xFFFFFFD0];
	[tilespmem:s19+$0x2040 ss:$0x81] =	vst.msk $0xffff, v4  }
0x52: {  	v6 =	vld [tilespmem:s18+$0xFFFFFFE0];
	[tilespmem:s19+$0x2850 ss:$0x81] =	vst.msk $0xffff, v3  }
0x53: {  	s23 =	sshra.s32 s21, $0x2;
	s21 =	smov.u32 s22;
	v7 =	vld [tilespmem:s18+$0xFFFFFFF0];
	[tilespmem:s19+$0x3060 ss:$0x81] =	vst.msk $0xffff, v2  }
.Ltmp3:
0x54: {  	v4 =	vld [tilespmem:s18+$0x0];
	[tilespmem:s19+$0x0 ss:$0x81] =	vst.msk $0xffff, v1;
	s19 =	sadd.s32 s23, s20;
	(pc) =	sbr.rel @p1 .LBB1_3-.Ltmp3, $4  }
0x55: {  	v3 =	vld [tilespmem:s18+$0x10];
	[tilespmem:s19+$0x3870 ss:$0x81] =	vst.msk $0xffff, v0  }
0x56: {  	[tilespmem:s19+$0x810 ss:$0x81] =	vst.msk $0xffff, v5;
	v2 =	vld [tilespmem:s18+$0x20]  }
0x57: {  	v1 =	vld [tilespmem:s18+$0xFFFFFFC0];
	[tilespmem:s19+$0x1020 ss:$0x81] =	vst.msk $0xffff, v6;
	s18 =	sadd.s32 $0x80, s18  }
0x58: {  	s22 =	sadd.s32 $0x4, s22;
	v0 =	vld [tilespmem:s18+$0x30];
	[tilespmem:s19+$0x1830 ss:$0x81] =	vst.msk $0xffff, v7  }
.Ltmp4:
0x59: {  	_ = 	snop;
	(pc) =	sbr.rel .LBB1_4-.Ltmp4, $1  }
0x5a: {  	_ =	sdelay $0x3  }
.LBB1_6:
0x5b: {  	_ =	sfence.sel $0x180000  }
0x5c: {  	s2 =	simm.s32 $0x1;
	[bflag:$0x0] =	sbarrier.arrive $0xFFFF  }
0x5d: {  	s31 =	simm.s32 $0x2;
	[sflag:s2] =	ssyncpa.u1 $0x1  }
0x5e: {  	[sflag:s31] =	ssyncpa.u1 $0x1  }
0x5f: {  	p0 =	sne.s32 s0, $0x0;
	_ =	strace $0x9000004A  }
0x60: {  	s0 =	sadd.s32 @!p0 $0x100000, s1;
	[bflag:$0x2] =	sbarrier.arrive $0xFFFF  }
0x61: {  	[sflag:s0] =	ssyncadd.tile.s32 @!p0 $0x1;
	_ =	shalt  }
.Lfunc_end1:
_tile_overlayer_lowered:
.L_overlay_start_2:
0x62: {  	(tag) =	ssettag $0x2  }
0x63: {  	s0 =	rddreg [dreg:$0x0];
	s2 =	stileid.u32  }
0x64: {  	s1 =	rddreg [dreg:$0x1];
	p0 =	sne.s32 s2, $0x0  }
0x65: {  	s3 =	rddreg [dreg:$0x2];
	[bflag:$0x3] =	sbarrier.arrive $0xFFFF;
	s2 =	simm.s32 @!p0 $0x1C01  }
0x66: {  	[timem:s3], [sflag:s2] =	dma.local @!p0 [hbm:s0], s1  }
0x67: {  	s0 =	simm.s32 @!p0 $0x1  }
0x68: {  	_ =	swait.ge @!p0 [sflag:s0], s1  }
0x69: {  	s1 =	ssub.s32 @!p0 $0x0, s1;
	[sflag:s0] =	ssyncset.done @!p0 $0x0  }
0x6a: {  	[sflag:s0] =	ssyncadd.s32 @!p0 s1  }
0x6b: {  	[bflag:$0x3] =	sbarrier.arrive $0xFFFF  }
0x6c: {  	_ =	shalt  }

</sc_bundles>
